<compile_context>
chip_gen: v7x
topology: tpu7x:2x2x1
jax: 0.10.2.dev20260603
libtpu: 0.0.44.dev20260713+nightly
codegen_flags: <defaults>
</compile_context>

<pallas_src>
import functools

import jax
import jax.numpy as jnp
from jax import lax
from jax.experimental import pallas as pl
from jax.experimental.pallas import tpu as pltpu
from jax.experimental.pallas import tpu_sc as plsc

BATCH = 4096
SEQ = 200
EMBED_DIM = 128
LANES = 16
NCHUNK = EMBED_DIM // LANES

NUM_CORES = 2
NUM_SUBCORES = 16
NW = NUM_CORES * NUM_SUBCORES
ROWS_PER_W = BATCH // NW
IDX_SPLIT = 2
IDX_CHUNK = SEQ // IDX_SPLIT


NBUF = 3


def _body(x_hbm, table_hbm, out_hbm, idx_v, buf_v, out_v, sem0, sem1, sem2, semi):
    wid = lax.axis_index("s") * NUM_CORES + lax.axis_index("c")
    base = wid * ROWS_PER_W
    sems = (sem0, sem1, sem2)

    pltpu.sync_copy(x_hbm.at[pl.ds(base, 2)], idx_v.at[pl.ds(0, 2)])
    rest = pltpu.async_copy(
        x_hbm.at[pl.ds(base + 2, ROWS_PER_W - 2)],
        idx_v.at[pl.ds(2, ROWS_PER_W - 2)],
        semi,
    )

    inv_n = jnp.float32(1.0 / SEQ)

    def gather_row(r, slot):
        for c in range(IDX_SPLIT):
            pltpu.async_copy(
                table_hbm.at[idx_v.at[r, c]],
                buf_v.at[slot, pl.ds(c * IDX_CHUNK, IDX_CHUNK)],
                sems[slot],
            )

    def wait_row(slot):
        pltpu.make_async_copy(
            table_hbm.at[pl.ds(0, SEQ)], buf_v.at[slot], sems[slot]
        ).wait()

    def accum_row(r, slot):
        def accum(j, carry):
            return tuple(
                carry[c * NCHUNK + d]
                + buf_v[slot, c * IDX_CHUNK + j, pl.ds(d * LANES, LANES)]
                for c in range(IDX_SPLIT)
                for d in range(NCHUNK)
            )

        init = tuple(
            jnp.zeros((LANES,), jnp.float32) for _ in range(IDX_SPLIT * NCHUNK)
        )
        acc = lax.fori_loop(0, IDX_CHUNK, accum, init, unroll=1)
        for d in range(NCHUNK):
            out_v[r, pl.ds(d * LANES, LANES)] = (acc[d] + acc[NCHUNK + d]) * inv_n

    gather_row(0, 0)
    gather_row(1, 1)
    rest.wait()

    main_rows = ROWS_PER_W - (ROWS_PER_W % NBUF)

    @pl.loop(0, main_rows, step=NBUF)
    def ring(r0):
        for b in range(NBUF):
            r = r0 + b
            gather_row(r + 2, (b + 2) % NBUF)
            wait_row(b)
            accum_row(r, b)

    for r in range(main_rows, ROWS_PER_W):
        wait_row(r % NBUF)
        accum_row(r, r % NBUF)

    pltpu.sync_copy(out_v, out_hbm.at[pl.ds(base, ROWS_PER_W)])


@jax.jit
def kernel(x, table):
    x3 = x.astype(jnp.int32).reshape(BATCH, IDX_SPLIT, IDX_CHUNK)
    mesh = plsc.VectorSubcoreMesh(core_axis_name="c", subcore_axis_name="s")
    k = functools.partial(
        pl.kernel,
        out_type=jax.ShapeDtypeStruct((BATCH, EMBED_DIM), jnp.float32),
        mesh=mesh,
        scratch_types=[
            pltpu.VMEM((ROWS_PER_W, IDX_SPLIT, IDX_CHUNK), jnp.int32),
            pltpu.VMEM((NBUF, SEQ, EMBED_DIM), jnp.float32),
            pltpu.VMEM((ROWS_PER_W, EMBED_DIM), jnp.float32),
            pltpu.SemaphoreType.DMA,
            pltpu.SemaphoreType.DMA,
            pltpu.SemaphoreType.DMA,
            pltpu.SemaphoreType.DMA,
        ],
    )(_body)
    return k(x3, table)

# --- scband reference (transcript-rebuilt; emitter-appended) ---
"""Pipeline reference for scband-text-embedding-mock-38354057953363 (READ-ONLY COPY).

The authoritative reference and input builder live on the scoring server;
editing this copy changes nothing except your own understanding.
"""

import jax, jax.numpy as jnp
import numpy as np

VOCAB = 100000
EMBED_DIM = 128
BATCH = 4096
SEQ = 200

def setup_inputs(seed: int = 0) -> dict:
    key = jax.random.key(seed)
    k_idx, k_tab = jax.random.split(key)
    x = jax.random.randint(k_idx, (BATCH, SEQ), 0, VOCAB, dtype=jnp.int64 if jax.config.jax_enable_x64 else jnp.int32)
    table = jax.random.normal(k_tab, (VOCAB, EMBED_DIM), dtype=jnp.float32)
    return {"x": x, "table": table}

def reference(x, table):
    # nn.Embedding lookup: gather rows of table by token id
    emb = jnp.take(table, x, axis=0)  # (B, S, D)
    # mean pooling over sequence dimension
    return emb.mean(axis=1)  # (B, D)

if __name__ == "__main__":
    import jax
    _d = setup_inputs()
    print(jax.jit(kernel)(*tuple(_d.values())))

</pallas_src>

<mosaic_0001>
#map = affine_map<(d0, d1) -> (0, 0, 0)>
#map1 = affine_map<(d0, d1) -> (0, 0)>
module attributes {stable_mosaic.version = 14 : i64} {
  func.func @_body(%arg0: i32, %arg1: i32, %arg2: memref<4096x2x100xi32, #tpu.memory_space<hbm>>, %arg3: memref<100000x128xf32, #tpu.memory_space<hbm>>, %arg4: memref<4096x128xf32, #tpu.memory_space<hbm>>, %arg5: memref<128x2x100xi32, #tpu.memory_space<vmem>>, %arg6: memref<3x200x128xf32, #tpu.memory_space<vmem>>, %arg7: memref<128x128xf32, #tpu.memory_space<vmem>>, %arg8: memref<!tpu.dma_semaphore, #tpu.memory_space<semaphore_mem>>, %arg9: memref<!tpu.dma_semaphore, #tpu.memory_space<semaphore_mem>>, %arg10: memref<!tpu.dma_semaphore, #tpu.memory_space<semaphore_mem>>, %arg11: memref<!tpu.dma_semaphore, #tpu.memory_space<semaphore_mem>>) attributes {dimension_semantics = [#tpu.dimension_semantics<core_parallel>, #tpu.dimension_semantics<subcore_parallel>], iteration_bounds = array<i64: 2, 16>, scalar_prefetch = 0 : i64, scratch_operands = 7 : i64, tpu.core_type = #tpu.core_type<sc_vector_subcore>, window_params = [{transform_indices = #map}, {transform_indices = #map1}, {transform_indices = #map1}]} {
    %mul3A = arith.constant 2 : i32
    %mul3A_0 = arith.muli %arg1, %mul3A : i32
    %add3A = arith.addi %mul3A_0, %arg0 : i32
    %mul3A_1 = arith.constant 128 : i32
    %mul3A_2 = arith.muli %add3A, %mul3A_1 : i32
    "tpu.region"() ({
      %run_scoped3A = tpu.sem_alloc : memref<!tpu.dma_semaphore, #tpu.memory_space<semaphore_mem>>
      %dma_start3A_352 = arith.constant 0 : i32
      %dma_start3A_353 = arith.constant 0 : i32
      %dma_start3A_354 = arith.constant 0 : i32
      %dma_start3A_355 = tpu.memref_slice %arg5[%dma_start3A_352, %dma_start3A_353, %dma_start3A_354] : memref<128x2x100xi32, #tpu.memory_space<vmem>> -> memref<2x2x100xi32, #tpu.memory_space<vmem>>
      %dma_start3A_356 = arith.constant 0 : i32
      %dma_start3A_357 = arith.constant 0 : i32
      %dma_start3A_358 = tpu.memref_slice %arg2[%mul3A_2, %dma_start3A_356, %dma_start3A_357] : memref<4096x2x100xi32, #tpu.memory_space<hbm>> -> memref<2x2x100xi32, #tpu.memory_space<hbm>>
      %dma_start3A_359 = arith.constant 0 : i32
      %dma_start3A_360 = arith.constant 0 : i32
      %dma_start3A_361 = arith.constant 0 : i32
      %dma_start3A_362 = tpu.memref_slice %arg5[%dma_start3A_359, %dma_start3A_360, %dma_start3A_361] : memref<128x2x100xi32, #tpu.memory_space<vmem>> -> memref<2x2x100xi32, #tpu.memory_space<vmem>>
      %dma_start3A_363 = arith.constant 0 : i32
      %dma_start3A_364 = arith.constant 0 : i32
      %dma_start3A_365 = tpu.memref_slice %arg2[%mul3A_2, %dma_start3A_363, %dma_start3A_364] : memref<4096x2x100xi32, #tpu.memory_space<hbm>> -> memref<2x2x100xi32, #tpu.memory_space<hbm>>
      tpu.enqueue_dma source(%dma_start3A_365 : memref<2x2x100xi32, #tpu.memory_space<hbm>>) target(%dma_start3A_362 : memref<2x2x100xi32, #tpu.memory_space<vmem>>) target_semaphore(%run_scoped3A : memref<!tpu.dma_semaphore, #tpu.memory_space<semaphore_mem>>)
      %dma_wait3A_366 = arith.constant 0 : i32
      %dma_wait3A_367 = arith.constant 0 : i32
      %dma_wait3A_368 = arith.constant 0 : i32
      %dma_wait3A_369 = tpu.memref_slice %arg5[%dma_wait3A_366, %dma_wait3A_367, %dma_wait3A_368] : memref<128x2x100xi32, #tpu.memory_space<vmem>> -> memref<2x2x100xi32, #tpu.memory_space<vmem>>
      %dma_wait3A_370 = arith.constant 0 : i32
      %dma_wait3A_371 = arith.constant 0 : i32
      %dma_wait3A_372 = tpu.memref_slice %arg2[%mul3A_2, %dma_wait3A_370, %dma_wait3A_371] : memref<4096x2x100xi32, #tpu.memory_space<hbm>> -> memref<2x2x100xi32, #tpu.memory_space<hbm>>
      %dma_wait3A_373 = arith.constant 0 : i32
      %dma_wait3A_374 = arith.constant 0 : i32
      %dma_wait3A_375 = arith.constant 0 : i32
      %dma_wait3A_376 = tpu.memref_slice %arg5[%dma_wait3A_373, %dma_wait3A_374, %dma_wait3A_375] : memref<128x2x100xi32, #tpu.memory_space<vmem>> -> memref<2x2x100xi32, #tpu.memory_space<vmem>>
      %dma_wait3A_377 = arith.constant 0 : i32
      %dma_wait3A_378 = arith.constant 0 : i32
      %dma_wait3A_379 = tpu.memref_slice %arg2[%mul3A_2, %dma_wait3A_377, %dma_wait3A_378] : memref<4096x2x100xi32, #tpu.memory_space<hbm>> -> memref<2x2x100xi32, #tpu.memory_space<hbm>>
      tpu.wait_dma2 semaphore(%run_scoped3A : memref<!tpu.dma_semaphore, #tpu.memory_space<semaphore_mem>>) src(%dma_wait3A_379 : memref<2x2x100xi32, #tpu.memory_space<hbm>>) dst(%dma_wait3A_376 : memref<2x2x100xi32, #tpu.memory_space<vmem>>)
      tpu.yield
    }) : () -> ()
    %add3A_3 = arith.constant 2 : i32
    %add3A_4 = arith.addi %mul3A_2, %add3A_3 : i32
    %dma_start3A = arith.constant 2 : i32
    %dma_start3A_5 = arith.constant 0 : i32
    %dma_start3A_6 = arith.constant 0 : i32
    %dma_start3A_7 = tpu.memref_slice %arg5[%dma_start3A, %dma_start3A_5, %dma_start3A_6] : memref<128x2x100xi32, #tpu.memory_space<vmem>> -> memref<126x2x100xi32, #tpu.memory_space<vmem>>
    %dma_start3A_8 = arith.constant 0 : i32
    %dma_start3A_9 = arith.constant 0 : i32
    %dma_start3A_10 = tpu.memref_slice %arg2[%add3A_4, %dma_start3A_8, %dma_start3A_9] : memref<4096x2x100xi32, #tpu.memory_space<hbm>> -> memref<126x2x100xi32, #tpu.memory_space<hbm>>
    %dma_start3A_11 = arith.constant 2 : i32
    %dma_start3A_12 = arith.constant 0 : i32
    %dma_start3A_13 = arith.constant 0 : i32
    %dma_start3A_14 = tpu.memref_slice %arg5[%dma_start3A_11, %dma_start3A_12, %dma_start3A_13] : memref<128x2x100xi32, #tpu.memory_space<vmem>> -> memref<126x2x100xi32, #tpu.memory_space<vmem>>
    %dma_start3A_15 = arith.constant 0 : i32
    %dma_start3A_16 = arith.constant 0 : i32
    %dma_start3A_17 = tpu.memref_slice %arg2[%add3A_4, %dma_start3A_15, %dma_start3A_16] : memref<4096x2x100xi32, #tpu.memory_space<hbm>> -> memref<126x2x100xi32, #tpu.memory_space<hbm>>
    tpu.enqueue_dma source(%dma_start3A_17 : memref<126x2x100xi32, #tpu.memory_space<hbm>>) target(%dma_start3A_14 : memref<126x2x100xi32, #tpu.memory_space<vmem>>) target_semaphore(%arg11 : memref<!tpu.dma_semaphore, #tpu.memory_space<semaphore_mem>>)
    %dma_start3A_18 = arith.constant 0 : i32
    %dma_start3A_19 = arith.constant 0 : i32
    %dma_start3A_20 = arith.constant 0 : i32
    %dma_start3A_21 = arith.constant 0 : i32
    %dma_start3A_22 = arith.constant 0 : i32
    %dma_start3A_23 = tpu.memref_slice %arg6[%dma_start3A_20, %dma_start3A_21, %dma_start3A_22] : memref<3x200x128xf32, #tpu.memory_space<vmem>> -> memref<1x100x128xf32, #tpu.memory_space<vmem>>
    %dma_start3A_24 = tpu.memref_squeeze %dma_start3A_23 : memref<1x100x128xf32, #tpu.memory_space<vmem>> -> memref<100x128xf32, #tpu.memory_space<vmem>>
    %dma_start3A_25 = arith.constant 0 : i32
    %dma_start3A_26 = tpu.memref_slice %arg5[%dma_start3A_18, %dma_start3A_19, %dma_start3A_25] : memref<128x2x100xi32, #tpu.memory_space<vmem>> -> memref<1x1x100xi32, #tpu.memory_space<vmem>>
    %dma_start3A_27 = tpu.memref_squeeze %dma_start3A_26 : memref<1x1x100xi32, #tpu.memory_space<vmem>> -> memref<100xi32, #tpu.memory_space<vmem>>
    %dma_start3A_28 = arith.constant 0 : i32
    %dma_start3A_29 = arith.constant 0 : i32
    %dma_start3A_30 = tpu.memref_slice %arg3[%dma_start3A_28, %dma_start3A_29] : memref<100000x128xf32, #tpu.memory_space<hbm>> -> memref<100000x128xf32, #tpu.memory_space<hbm>>
    tpu.enqueue_indirect_dma source(%dma_start3A_30 : memref<100000x128xf32, #tpu.memory_space<hbm>>) target(%dma_start3A_24 : memref<100x128xf32, #tpu.memory_space<vmem>>) offsets(%dma_start3A_27 : memref<100xi32, #tpu.memory_space<vmem>>) semaphore(%arg8 : memref<!tpu.dma_semaphore, #tpu.memory_space<semaphore_mem>>)
    %dma_start3A_31 = arith.constant 0 : i32
    %dma_start3A_32 = arith.constant 1 : i32
    %dma_start3A_33 = arith.constant 0 : i32
    %dma_start3A_34 = arith.constant 100 : i32
    %dma_start3A_35 = arith.constant 0 : i32
    %dma_start3A_36 = tpu.memref_slice %arg6[%dma_start3A_33, %dma_start3A_34, %dma_start3A_35] : memref<3x200x128xf32, #tpu.memory_space<vmem>> -> memref<1x100x128xf32, #tpu.memory_space<vmem>>
    %dma_start3A_37 = tpu.memref_squeeze %dma_start3A_36 : memref<1x100x128xf32, #tpu.memory_space<vmem>> -> memref<100x128xf32, #tpu.memory_space<vmem>>
    %dma_start3A_38 = arith.constant 0 : i32
    %dma_start3A_39 = tpu.memref_slice %arg5[%dma_start3A_31, %dma_start3A_32, %dma_start3A_38] : memref<128x2x100xi32, #tpu.memory_space<vmem>> -> memref<1x1x100xi32, #tpu.memory_space<vmem>>
    %dma_start3A_40 = tpu.memref_squeeze %dma_start3A_39 : memref<1x1x100xi32, #tpu.memory_space<vmem>> -> memref<100xi32, #tpu.memory_space<vmem>>
    %dma_start3A_41 = arith.constant 0 : i32
    %dma_start3A_42 = arith.constant 0 : i32
    %dma_start3A_43 = tpu.memref_slice %arg3[%dma_start3A_41, %dma_start3A_42] : memref<100000x128xf32, #tpu.memory_space<hbm>> -> memref<100000x128xf32, #tpu.memory_space<hbm>>
    tpu.enqueue_indirect_dma source(%dma_start3A_43 : memref<100000x128xf32, #tpu.memory_space<hbm>>) target(%dma_start3A_37 : memref<100x128xf32, #tpu.memory_space<vmem>>) offsets(%dma_start3A_40 : memref<100xi32, #tpu.memory_space<vmem>>) semaphore(%arg8 : memref<!tpu.dma_semaphore, #tpu.memory_space<semaphore_mem>>)
    %dma_start3A_44 = arith.constant 1 : i32
    %dma_start3A_45 = arith.constant 0 : i32
    %dma_start3A_46 = arith.constant 1 : i32
    %dma_start3A_47 = arith.constant 0 : i32
    %dma_start3A_48 = arith.constant 0 : i32
    %dma_start3A_49 = tpu.memref_slice %arg6[%dma_start3A_46, %dma_start3A_47, %dma_start3A_48] : memref<3x200x128xf32, #tpu.memory_space<vmem>> -> memref<1x100x128xf32, #tpu.memory_space<vmem>>
    %dma_start3A_50 = tpu.memref_squeeze %dma_start3A_49 : memref<1x100x128xf32, #tpu.memory_space<vmem>> -> memref<100x128xf32, #tpu.memory_space<vmem>>
    %dma_start3A_51 = arith.constant 0 : i32
    %dma_start3A_52 = tpu.memref_slice %arg5[%dma_start3A_44, %dma_start3A_45, %dma_start3A_51] : memref<128x2x100xi32, #tpu.memory_space<vmem>> -> memref<1x1x100xi32, #tpu.memory_space<vmem>>
    %dma_start3A_53 = tpu.memref_squeeze %dma_start3A_52 : memref<1x1x100xi32, #tpu.memory_space<vmem>> -> memref<100xi32, #tpu.memory_space<vmem>>
    %dma_start3A_54 = arith.constant 0 : i32
    %dma_start3A_55 = arith.constant 0 : i32
    %dma_start3A_56 = tpu.memref_slice %arg3[%dma_start3A_54, %dma_start3A_55] : memref<100000x128xf32, #tpu.memory_space<hbm>> -> memref<100000x128xf32, #tpu.memory_space<hbm>>
    tpu.enqueue_indirect_dma source(%dma_start3A_56 : memref<100000x128xf32, #tpu.memory_space<hbm>>) target(%dma_start3A_50 : memref<100x128xf32, #tpu.memory_space<vmem>>) offsets(%dma_start3A_53 : memref<100xi32, #tpu.memory_space<vmem>>) semaphore(%arg9 : memref<!tpu.dma_semaphore, #tpu.memory_space<semaphore_mem>>)
    %dma_start3A_57 = arith.constant 1 : i32
    %dma_start3A_58 = arith.constant 1 : i32
    %dma_start3A_59 = arith.constant 1 : i32
    %dma_start3A_60 = arith.constant 100 : i32
    %dma_start3A_61 = arith.constant 0 : i32
    %dma_start3A_62 = tpu.memref_slice %arg6[%dma_start3A_59, %dma_start3A_60, %dma_start3A_61] : memref<3x200x128xf32, #tpu.memory_space<vmem>> -> memref<1x100x128xf32, #tpu.memory_space<vmem>>
    %dma_start3A_63 = tpu.memref_squeeze %dma_start3A_62 : memref<1x100x128xf32, #tpu.memory_space<vmem>> -> memref<100x128xf32, #tpu.memory_space<vmem>>
    %dma_start3A_64 = arith.constant 0 : i32
    %dma_start3A_65 = tpu.memref_slice %arg5[%dma_start3A_57, %dma_start3A_58, %dma_start3A_64] : memref<128x2x100xi32, #tpu.memory_space<vmem>> -> memref<1x1x100xi32, #tpu.memory_space<vmem>>
    %dma_start3A_66 = tpu.memref_squeeze %dma_start3A_65 : memref<1x1x100xi32, #tpu.memory_space<vmem>> -> memref<100xi32, #tpu.memory_space<vmem>>
    %dma_start3A_67 = arith.constant 0 : i32
    %dma_start3A_68 = arith.constant 0 : i32
    %dma_start3A_69 = tpu.memref_slice %arg3[%dma_start3A_67, %dma_start3A_68] : memref<100000x128xf32, #tpu.memory_space<hbm>> -> memref<100000x128xf32, #tpu.memory_space<hbm>>
    tpu.enqueue_indirect_dma source(%dma_start3A_69 : memref<100000x128xf32, #tpu.memory_space<hbm>>) target(%dma_start3A_63 : memref<100x128xf32, #tpu.memory_space<vmem>>) offsets(%dma_start3A_66 : memref<100xi32, #tpu.memory_space<vmem>>) semaphore(%arg9 : memref<!tpu.dma_semaphore, #tpu.memory_space<semaphore_mem>>)
    %dma_wait3A = arith.constant 2 : i32
    %dma_wait3A_70 = arith.constant 0 : i32
    %dma_wait3A_71 = arith.constant 0 : i32
    %dma_wait3A_72 = tpu.memref_slice %arg5[%dma_wait3A, %dma_wait3A_70, %dma_wait3A_71] : memref<128x2x100xi32, #tpu.memory_space<vmem>> -> memref<126x2x100xi32, #tpu.memory_space<vmem>>
    %dma_wait3A_73 = arith.constant 0 : i32
    %dma_wait3A_74 = arith.constant 0 : i32
    %dma_wait3A_75 = tpu.memref_slice %arg2[%add3A_4, %dma_wait3A_73, %dma_wait3A_74] : memref<4096x2x100xi32, #tpu.memory_space<hbm>> -> memref<126x2x100xi32, #tpu.memory_space<hbm>>
    %dma_wait3A_76 = arith.constant 2 : i32
    %dma_wait3A_77 = arith.constant 0 : i32
    %dma_wait3A_78 = arith.constant 0 : i32
    %dma_wait3A_79 = tpu.memref_slice %arg5[%dma_wait3A_76, %dma_wait3A_77, %dma_wait3A_78] : memref<128x2x100xi32, #tpu.memory_space<vmem>> -> memref<126x2x100xi32, #tpu.memory_space<vmem>>
    %dma_wait3A_80 = arith.constant 0 : i32
    %dma_wait3A_81 = arith.constant 0 : i32
    %dma_wait3A_82 = tpu.memref_slice %arg2[%add3A_4, %dma_wait3A_80, %dma_wait3A_81] : memref<4096x2x100xi32, #tpu.memory_space<hbm>> -> memref<126x2x100xi32, #tpu.memory_space<hbm>>
    tpu.wait_dma2 semaphore(%arg11 : memref<!tpu.dma_semaphore, #tpu.memory_space<semaphore_mem>>) src(%dma_wait3A_82 : memref<126x2x100xi32, #tpu.memory_space<hbm>>) dst(%dma_wait3A_79 : memref<126x2x100xi32, #tpu.memory_space<vmem>>)
    %scan3A = arith.constant 5.000000e-03 : f32
    %scan3A_83 = arith.constant 0 : i32
    %scan3A_84 = arith.constant 42 : i32
    %scan3A_85 = arith.addi %scan3A_83, %scan3A_84 : i32
    %scan3A_86 = arith.constant 1 : i32
    scf.for %scan3A_352 = %scan3A_83 to %scan3A_85 step %scan3A_86  : i32 {
      %mul3A_353 = arith.constant 3 : i32
      %mul3A_354 = arith.muli %scan3A_352, %mul3A_353 : i32
      %add3A_355 = arith.constant 0 : i32
      %add3A_356 = arith.addi %add3A_355, %mul3A_354 : i32
      %add3A_357 = arith.constant 0 : i32
      %add3A_358 = arith.addi %add3A_356, %add3A_357 : i32
      %add3A_359 = arith.constant 2 : i32
      %add3A_360 = arith.addi %add3A_358, %add3A_359 : i32
      %dma_start3A_361 = arith.constant 0 : i32
      %dma_start3A_362 = arith.constant 2 : i32
      %dma_start3A_363 = arith.constant 0 : i32
      %dma_start3A_364 = arith.constant 0 : i32
      %dma_start3A_365 = tpu.memref_slice %arg6[%dma_start3A_362, %dma_start3A_363, %dma_start3A_364] : memref<3x200x128xf32, #tpu.memory_space<vmem>> -> memref<1x100x128xf32, #tpu.memory_space<vmem>>
      %dma_start3A_366 = tpu.memref_squeeze %dma_start3A_365 : memref<1x100x128xf32, #tpu.memory_space<vmem>> -> memref<100x128xf32, #tpu.memory_space<vmem>>
      %dma_start3A_367 = arith.constant 0 : i32
      %dma_start3A_368 = tpu.memref_slice %arg5[%add3A_360, %dma_start3A_361, %dma_start3A_367] : memref<128x2x100xi32, #tpu.memory_space<vmem>> -> memref<1x1x100xi32, #tpu.memory_space<vmem>>
      %dma_start3A_369 = tpu.memref_squeeze %dma_start3A_368 : memref<1x1x100xi32, #tpu.memory_space<vmem>> -> memref<100xi32, #tpu.memory_space<vmem>>
      %dma_start3A_370 = arith.constant 0 : i32
      %dma_start3A_371 = arith.constant 0 : i32
      %dma_start3A_372 = tpu.memref_slice %arg3[%dma_start3A_370, %dma_start3A_371] : memref<100000x128xf32, #tpu.memory_space<hbm>> -> memref<100000x128xf32, #tpu.memory_space<hbm>>
      tpu.enqueue_indirect_dma source(%dma_start3A_372 : memref<100000x128xf32, #tpu.memory_space<hbm>>) target(%dma_start3A_366 : memref<100x128xf32, #tpu.memory_space<vmem>>) offsets(%dma_start3A_369 : memref<100xi32, #tpu.memory_space<vmem>>) semaphore(%arg10 : memref<!tpu.dma_semaphore, #tpu.memory_space<semaphore_mem>>)
      %dma_start3A_373 = arith.constant 1 : i32
      %dma_start3A_374 = arith.constant 2 : i32
      %dma_start3A_375 = arith.constant 100 : i32
      %dma_start3A_376 = arith.constant 0 : i32
      %dma_start3A_377 = tpu.memref_slice %arg6[%dma_start3A_374, %dma_start3A_375, %dma_start3A_376] : memref<3x200x128xf32, #tpu.memory_space<vmem>> -> memref<1x100x128xf32, #tpu.memory_space<vmem>>
      %dma_start3A_378 = tpu.memref_squeeze %dma_start3A_377 : memref<1x100x128xf32, #tpu.memory_space<vmem>> -> memref<100x128xf32, #tpu.memory_space<vmem>>
      %dma_start3A_379 = arith.constant 0 : i32
      %dma_start3A_380 = tpu.memref_slice %arg5[%add3A_360, %dma_start3A_373, %dma_start3A_379] : memref<128x2x100xi32, #tpu.memory_space<vmem>> -> memref<1x1x100xi32, #tpu.memory_space<vmem>>
      %dma_start3A_381 = tpu.memref_squeeze %dma_start3A_380 : memref<1x1x100xi32, #tpu.memory_space<vmem>> -> memref<100xi32, #tpu.memory_space<vmem>>
      %dma_start3A_382 = arith.constant 0 : i32
      %dma_start3A_383 = arith.constant 0 : i32
      %dma_start3A_384 = tpu.memref_slice %arg3[%dma_start3A_382, %dma_start3A_383] : memref<100000x128xf32, #tpu.memory_space<hbm>> -> memref<100000x128xf32, #tpu.memory_space<hbm>>
      tpu.enqueue_indirect_dma source(%dma_start3A_384 : memref<100000x128xf32, #tpu.memory_space<hbm>>) target(%dma_start3A_378 : memref<100x128xf32, #tpu.memory_space<vmem>>) offsets(%dma_start3A_381 : memref<100xi32, #tpu.memory_space<vmem>>) semaphore(%arg10 : memref<!tpu.dma_semaphore, #tpu.memory_space<semaphore_mem>>)
      %dma_wait3A_385 = arith.constant 0 : i32
      %dma_wait3A_386 = arith.constant 0 : i32
      %dma_wait3A_387 = arith.constant 0 : i32
      %dma_wait3A_388 = tpu.memref_slice %arg6[%dma_wait3A_385, %dma_wait3A_386, %dma_wait3A_387] : memref<3x200x128xf32, #tpu.memory_space<vmem>> -> memref<1x200x128xf32, #tpu.memory_space<vmem>>
      %dma_wait3A_389 = tpu.memref_squeeze %dma_wait3A_388 : memref<1x200x128xf32, #tpu.memory_space<vmem>> -> memref<200x128xf32, #tpu.memory_space<vmem>>
      %dma_wait3A_390 = arith.constant 0 : i32
      %dma_wait3A_391 = arith.constant 0 : i32
      %dma_wait3A_392 = tpu.memref_slice %arg3[%dma_wait3A_390, %dma_wait3A_391] : memref<100000x128xf32, #tpu.memory_space<hbm>> -> memref<200x128xf32, #tpu.memory_space<hbm>>
      %dma_wait3A_393 = arith.constant 0 : i32
      %dma_wait3A_394 = arith.constant 0 : i32
      %dma_wait3A_395 = tpu.memref_slice %arg6[%dma_wait3A_385, %dma_wait3A_393, %dma_wait3A_394] : memref<3x200x128xf32, #tpu.memory_space<vmem>> -> memref<1x200x128xf32, #tpu.memory_space<vmem>>
      %dma_wait3A_396 = tpu.memref_squeeze %dma_wait3A_395 : memref<1x200x128xf32, #tpu.memory_space<vmem>> -> memref<200x128xf32, #tpu.memory_space<vmem>>
      %dma_wait3A_397 = arith.constant 0 : i32
      %dma_wait3A_398 = arith.constant 0 : i32
      %dma_wait3A_399 = tpu.memref_slice %arg3[%dma_wait3A_397, %dma_wait3A_398] : memref<100000x128xf32, #tpu.memory_space<hbm>> -> memref<200x128xf32, #tpu.memory_space<hbm>>
      tpu.wait_dma2 semaphore(%arg8 : memref<!tpu.dma_semaphore, #tpu.memory_space<semaphore_mem>>) src(%dma_wait3A_399 : memref<200x128xf32, #tpu.memory_space<hbm>>) dst(%dma_wait3A_396 : memref<200x128xf32, #tpu.memory_space<vmem>>)
      %broadcast_in_dim3A_400 = arith.constant 0.000000e+00 : f32
      %broadcast_in_dim3A_401 = vector.broadcast %broadcast_in_dim3A_400 : f32 to vector<16xf32>
      %broadcast_in_dim3A_402 = arith.constant 0.000000e+00 : f32
      %broadcast_in_dim3A_403 = vector.broadcast %broadcast_in_dim3A_402 : f32 to vector<16xf32>
      %broadcast_in_dim3A_404 = arith.constant 0.000000e+00 : f32
      %broadcast_in_dim3A_405 = vector.broadcast %broadcast_in_dim3A_404 : f32 to vector<16xf32>
      %broadcast_in_dim3A_406 = arith.constant 0.000000e+00 : f32
      %broadcast_in_dim3A_407 = vector.broadcast %broadcast_in_dim3A_406 : f32 to vector<16xf32>
      %broadcast_in_dim3A_408 = arith.constant 0.000000e+00 : f32
      %broadcast_in_dim3A_409 = vector.broadcast %broadcast_in_dim3A_408 : f32 to vector<16xf32>
      %broadcast_in_dim3A_410 = arith.constant 0.000000e+00 : f32
      %broadcast_in_dim3A_411 = vector.broadcast %broadcast_in_dim3A_410 : f32 to vector<16xf32>
      %broadcast_in_dim3A_412 = arith.constant 0.000000e+00 : f32
      %broadcast_in_dim3A_413 = vector.broadcast %broadcast_in_dim3A_412 : f32 to vector<16xf32>
      %broadcast_in_dim3A_414 = arith.constant 0.000000e+00 : f32
      %broadcast_in_dim3A_415 = vector.broadcast %broadcast_in_dim3A_414 : f32 to vector<16xf32>
      %broadcast_in_dim3A_416 = arith.constant 0.000000e+00 : f32
      %broadcast_in_dim3A_417 = vector.broadcast %broadcast_in_dim3A_416 : f32 to vector<16xf32>
      %broadcast_in_dim3A_418 = arith.constant 0.000000e+00 : f32
      %broadcast_in_dim3A_419 = vector.broadcast %broadcast_in_dim3A_418 : f32 to vector<16xf32>
      %broadcast_in_dim3A_420 = arith.constant 0.000000e+00 : f32
      %broadcast_in_dim3A_421 = vector.broadcast %broadcast_in_dim3A_420 : f32 to vector<16xf32>
      %broadcast_in_dim3A_422 = arith.constant 0.000000e+00 : f32
      %broadcast_in_dim3A_423 = vector.broadcast %broadcast_in_dim3A_422 : f32 to vector<16xf32>
      %broadcast_in_dim3A_424 = arith.constant 0.000000e+00 : f32
      %broadcast_in_dim3A_425 = vector.broadcast %broadcast_in_dim3A_424 : f32 to vector<16xf32>
      %broadcast_in_dim3A_426 = arith.constant 0.000000e+00 : f32
      %broadcast_in_dim3A_427 = vector.broadcast %broadcast_in_dim3A_426 : f32 to vector<16xf32>
      %broadcast_in_dim3A_428 = arith.constant 0.000000e+00 : f32
      %broadcast_in_dim3A_429 = vector.broadcast %broadcast_in_dim3A_428 : f32 to vector<16xf32>
      %broadcast_in_dim3A_430 = arith.constant 0.000000e+00 : f32
      %broadcast_in_dim3A_431 = vector.broadcast %broadcast_in_dim3A_430 : f32 to vector<16xf32>
      %scan3A_432 = arith.constant 0 : i32
      %scan3A_433 = arith.constant 100 : i32
      %scan3A_434 = arith.addi %scan3A_432, %scan3A_433 : i32
      %scan3A_435 = arith.constant 1 : i32
      %scan3A_436:16 = scf.for %scan3A_792 = %scan3A_432 to %scan3A_434 step %scan3A_435 iter_args(%scan3A_793 = %broadcast_in_dim3A_401, %scan3A_794 = %broadcast_in_dim3A_403, %scan3A_795 = %broadcast_in_dim3A_405, %scan3A_796 = %broadcast_in_dim3A_407, %scan3A_797 = %broadcast_in_dim3A_409, %scan3A_798 = %broadcast_in_dim3A_411, %scan3A_799 = %broadcast_in_dim3A_413, %scan3A_800 = %broadcast_in_dim3A_415, %scan3A_801 = %broadcast_in_dim3A_417, %scan3A_802 = %broadcast_in_dim3A_419, %scan3A_803 = %broadcast_in_dim3A_421, %scan3A_804 = %broadcast_in_dim3A_423, %scan3A_805 = %broadcast_in_dim3A_425, %scan3A_806 = %broadcast_in_dim3A_427, %scan3A_807 = %broadcast_in_dim3A_429, %scan3A_808 = %broadcast_in_dim3A_431) -> (vector<16xf32>, vector<16xf32>, vector<16xf32>, vector<16xf32>, vector<16xf32>, vector<16xf32>, vector<16xf32>, vector<16xf32>, vector<16xf32>, vector<16xf32>, vector<16xf32>, vector<16xf32>, vector<16xf32>, vector<16xf32>, vector<16xf32>, vector<16xf32>)  : i32 {
        %add3A_809 = arith.constant 0 : i32
        %add3A_810 = arith.addi %add3A_809, %scan3A_792 : i32
        %get3A = arith.constant 0 : i32
        %get3A_811 = arith.index_cast %get3A : i32 to index
        %get3A_812 = arith.index_cast %add3A_810 : i32 to index
        %get3A_813 = arith.constant 0 : index
        %get3A_814 = tpu.vector_load %arg6[%get3A_811, %get3A_812, %get3A_813] {strides = array<i32>} : memref<3x200x128xf32, #tpu.memory_space<vmem>>, vector<1x1x16xf32>,
        %get3A_815 = vector.shape_cast %get3A_814 : vector<1x1x16xf32> to vector<16xf32>
        %add3A_816 = arith.addf %scan3A_793, %get3A_815 : vector<16xf32>
        %add3A_817 = arith.constant 0 : i32
        %add3A_818 = arith.addi %add3A_817, %scan3A_792 : i32
        %get3A_819 = arith.constant 0 : i32
        %get3A_820 = arith.index_cast %get3A_819 : i32 to index
        %get3A_821 = arith.index_cast %add3A_818 : i32 to index
        %get3A_822 = arith.constant 16 : index
        %get3A_823 = tpu.vector_load %arg6[%get3A_820, %get3A_821, %get3A_822] {strides = array<i32>} : memref<3x200x128xf32, #tpu.memory_space<vmem>>, vector<1x1x16xf32>,
        %get3A_824 = vector.shape_cast %get3A_823 : vector<1x1x16xf32> to vector<16xf32>
        %add3A_825 = arith.addf %scan3A_794, %get3A_824 : vector<16xf32>
        %add3A_826 = arith.constant 0 : i32
        %add3A_827 = arith.addi %add3A_826, %scan3A_792 : i32
        %get3A_828 = arith.constant 0 : i32
        %get3A_829 = arith.index_cast %get3A_828 : i32 to index
        %get3A_830 = arith.index_cast %add3A_827 : i32 to index
        %get3A_831 = arith.constant 32 : index
        %get3A_832 = tpu.vector_load %arg6[%get3A_829, %get3A_830, %get3A_831] {strides = array<i32>} : memref<3x200x128xf32, #tpu.memory_space<vmem>>, vector<1x1x16xf32>,
        %get3A_833 = vector.shape_cast %get3A_832 : vector<1x1x16xf32> to vector<16xf32>
        %add3A_834 = arith.addf %scan3A_795, %get3A_833 : vector<16xf32>
        %add3A_835 = arith.constant 0 : i32
        %add3A_836 = arith.addi %add3A_835, %scan3A_792 : i32
        %get3A_837 = arith.constant 0 : i32
        %get3A_838 = arith.index_cast %get3A_837 : i32 to index
        %get3A_839 = arith.index_cast %add3A_836 : i32 to index
        %get3A_840 = arith.constant 48 : index
        %get3A_841 = tpu.vector_load %arg6[%get3A_838, %get3A_839, %get3A_840] {strides = array<i32>} : memref<3x200x128xf32, #tpu.memory_space<vmem>>, vector<1x1x16xf32>,
        %get3A_842 = vector.shape_cast %get3A_841 : vector<1x1x16xf32> to vector<16xf32>
        %add3A_843 = arith.addf %scan3A_796, %get3A_842 : vector<16xf32>
        %add3A_844 = arith.constant 0 : i32
        %add3A_845 = arith.addi %add3A_844, %scan3A_792 : i32
        %get3A_846 = arith.constant 0 : i32
        %get3A_847 = arith.index_cast %get3A_846 : i32 to index
        %get3A_848 = arith.index_cast %add3A_845 : i32 to index
        %get3A_849 = arith.constant 64 : index
        %get3A_850 = tpu.vector_load %arg6[%get3A_847, %get3A_848, %get3A_849] {strides = array<i32>} : memref<3x200x128xf32, #tpu.memory_space<vmem>>, vector<1x1x16xf32>,
        %get3A_851 = vector.shape_cast %get3A_850 : vector<1x1x16xf32> to vector<16xf32>
        %add3A_852 = arith.addf %scan3A_797, %get3A_851 : vector<16xf32>
        %add3A_853 = arith.constant 0 : i32
        %add3A_854 = arith.addi %add3A_853, %scan3A_792 : i32
        %get3A_855 = arith.constant 0 : i32
        %get3A_856 = arith.index_cast %get3A_855 : i32 to index
        %get3A_857 = arith.index_cast %add3A_854 : i32 to index
        %get3A_858 = arith.constant 80 : index
        %get3A_859 = tpu.vector_load %arg6[%get3A_856, %get3A_857, %get3A_858] {strides = array<i32>} : memref<3x200x128xf32, #tpu.memory_space<vmem>>, vector<1x1x16xf32>,
        %get3A_860 = vector.shape_cast %get3A_859 : vector<1x1x16xf32> to vector<16xf32>
        %add3A_861 = arith.addf %scan3A_798, %get3A_860 : vector<16xf32>
        %add3A_862 = arith.constant 0 : i32
        %add3A_863 = arith.addi %add3A_862, %scan3A_792 : i32
        %get3A_864 = arith.constant 0 : i32
        %get3A_865 = arith.index_cast %get3A_864 : i32 to index
        %get3A_866 = arith.index_cast %add3A_863 : i32 to index
        %get3A_867 = arith.constant 96 : index
        %get3A_868 = tpu.vector_load %arg6[%get3A_865, %get3A_866, %get3A_867] {strides = array<i32>} : memref<3x200x128xf32, #tpu.memory_space<vmem>>, vector<1x1x16xf32>,
        %get3A_869 = vector.shape_cast %get3A_868 : vector<1x1x16xf32> to vector<16xf32>
        %add3A_870 = arith.addf %scan3A_799, %get3A_869 : vector<16xf32>
        %add3A_871 = arith.constant 0 : i32
        %add3A_872 = arith.addi %add3A_871, %scan3A_792 : i32
        %get3A_873 = arith.constant 0 : i32
        %get3A_874 = arith.index_cast %get3A_873 : i32 to index
        %get3A_875 = arith.index_cast %add3A_872 : i32 to index
        %get3A_876 = arith.constant 112 : index
        %get3A_877 = tpu.vector_load %arg6[%get3A_874, %get3A_875, %get3A_876] {strides = array<i32>} : memref<3x200x128xf32, #tpu.memory_space<vmem>>, vector<1x1x16xf32>,
        %get3A_878 = vector.shape_cast %get3A_877 : vector<1x1x16xf32> to vector<16xf32>
        %add3A_879 = arith.addf %scan3A_800, %get3A_878 : vector<16xf32>
        %add3A_880 = arith.constant 100 : i32
        %add3A_881 = arith.addi %add3A_880, %scan3A_792 : i32
        %get3A_882 = arith.constant 0 : i32
        %get3A_883 = arith.index_cast %get3A_882 : i32 to index
        %get3A_884 = arith.index_cast %add3A_881 : i32 to index
        %get3A_885 = arith.constant 0 : index
        %get3A_886 = tpu.vector_load %arg6[%get3A_883, %get3A_884, %get3A_885] {strides = array<i32>} : memref<3x200x128xf32, #tpu.memory_space<vmem>>, vector<1x1x16xf32>,
        %get3A_887 = vector.shape_cast %get3A_886 : vector<1x1x16xf32> to vector<16xf32>
        %add3A_888 = arith.addf %scan3A_801, %get3A_887 : vector<16xf32>
        %add3A_889 = arith.constant 100 : i32
        %add3A_890 = arith.addi %add3A_889, %scan3A_792 : i32
        %get3A_891 = arith.constant 0 : i32
        %get3A_892 = arith.index_cast %get3A_891 : i32 to index
        %get3A_893 = arith.index_cast %add3A_890 : i32 to index
        %get3A_894 = arith.constant 16 : index
        %get3A_895 = tpu.vector_load %arg6[%get3A_892, %get3A_893, %get3A_894] {strides = array<i32>} : memref<3x200x128xf32, #tpu.memory_space<vmem>>, vector<1x1x16xf32>,
        %get3A_896 = vector.shape_cast %get3A_895 : vector<1x1x16xf32> to vector<16xf32>
        %add3A_897 = arith.addf %scan3A_802, %get3A_896 : vector<16xf32>
        %add3A_898 = arith.constant 100 : i32
        %add3A_899 = arith.addi %add3A_898, %scan3A_792 : i32
        %get3A_900 = arith.constant 0 : i32
        %get3A_901 = arith.index_cast %get3A_900 : i32 to index
        %get3A_902 = arith.index_cast %add3A_899 : i32 to index
        %get3A_903 = arith.constant 32 : index
        %get3A_904 = tpu.vector_load %arg6[%get3A_901, %get3A_902, %get3A_903] {strides = array<i32>} : memref<3x200x128xf32, #tpu.memory_space<vmem>>, vector<1x1x16xf32>,
        %get3A_905 = vector.shape_cast %get3A_904 : vector<1x1x16xf32> to vector<16xf32>
        %add3A_906 = arith.addf %scan3A_803, %get3A_905 : vector<16xf32>
        %add3A_907 = arith.constant 100 : i32
        %add3A_908 = arith.addi %add3A_907, %scan3A_792 : i32
        %get3A_909 = arith.constant 0 : i32
        %get3A_910 = arith.index_cast %get3A_909 : i32 to index
        %get3A_911 = arith.index_cast %add3A_908 : i32 to index
        %get3A_912 = arith.constant 48 : index
        %get3A_913 = tpu.vector_load %arg6[%get3A_910, %get3A_911, %get3A_912] {strides = array<i32>} : memref<3x200x128xf32, #tpu.memory_space<vmem>>, vector<1x1x16xf32>,
        %get3A_914 = vector.shape_cast %get3A_913 : vector<1x1x16xf32> to vector<16xf32>
        %add3A_915 = arith.addf %scan3A_804, %get3A_914 : vector<16xf32>
        %add3A_916 = arith.constant 100 : i32
        %add3A_917 = arith.addi %add3A_916, %scan3A_792 : i32
        %get3A_918 = arith.constant 0 : i32
        %get3A_919 = arith.index_cast %get3A_918 : i32 to index
        %get3A_920 = arith.index_cast %add3A_917 : i32 to index
        %get3A_921 = arith.constant 64 : index
        %get3A_922 = tpu.vector_load %arg6[%get3A_919, %get3A_920, %get3A_921] {strides = array<i32>} : memref<3x200x128xf32, #tpu.memory_space<vmem>>, vector<1x1x16xf32>,
        %get3A_923 = vector.shape_cast %get3A_922 : vector<1x1x16xf32> to vector<16xf32>
        %add3A_924 = arith.addf %scan3A_805, %get3A_923 : vector<16xf32>
        %add3A_925 = arith.constant 100 : i32
        %add3A_926 = arith.addi %add3A_925, %scan3A_792 : i32
        %get3A_927 = arith.constant 0 : i32
        %get3A_928 = arith.index_cast %get3A_927 : i32 to index
        %get3A_929 = arith.index_cast %add3A_926 : i32 to index
        %get3A_930 = arith.constant 80 : index
        %get3A_931 = tpu.vector_load %arg6[%get3A_928, %get3A_929, %get3A_930] {strides = array<i32>} : memref<3x200x128xf32, #tpu.memory_space<vmem>>, vector<1x1x16xf32>,
        %get3A_932 = vector.shape_cast %get3A_931 : vector<1x1x16xf32> to vector<16xf32>
        %add3A_933 = arith.addf %scan3A_806, %get3A_932 : vector<16xf32>
        %add3A_934 = arith.constant 100 : i32
        %add3A_935 = arith.addi %add3A_934, %scan3A_792 : i32
        %get3A_936 = arith.constant 0 : i32
        %get3A_937 = arith.index_cast %get3A_936 : i32 to index
        %get3A_938 = arith.index_cast %add3A_935 : i32 to index
        %get3A_939 = arith.constant 96 : index
        %get3A_940 = tpu.vector_load %arg6[%get3A_937, %get3A_938, %get3A_939] {strides = array<i32>} : memref<3x200x128xf32, #tpu.memory_space<vmem>>, vector<1x1x16xf32>,
        %get3A_941 = vector.shape_cast %get3A_940 : vector<1x1x16xf32> to vector<16xf32>
        %add3A_942 = arith.addf %scan3A_807, %get3A_941 : vector<16xf32>
        %add3A_943 = arith.constant 100 : i32
        %add3A_944 = arith.addi %add3A_943, %scan3A_792 : i32
        %get3A_945 = arith.constant 0 : i32
        %get3A_946 = arith.index_cast %get3A_945 : i32 to index
        %get3A_947 = arith.index_cast %add3A_944 : i32 to index
        %get3A_948 = arith.constant 112 : index
        %get3A_949 = tpu.vector_load %arg6[%get3A_946, %get3A_947, %get3A_948] {strides = array<i32>} : memref<3x200x128xf32, #tpu.memory_space<vmem>>, vector<1x1x16xf32>,
        %get3A_950 = vector.shape_cast %get3A_949 : vector<1x1x16xf32> to vector<16xf32>
        %add3A_951 = arith.addf %scan3A_808, %get3A_950 : vector<16xf32>
        scf.yield %add3A_816, %add3A_825, %add3A_834, %add3A_843, %add3A_852, %add3A_861, %add3A_870, %add3A_879, %add3A_888, %add3A_897, %add3A_906, %add3A_915, %add3A_924, %add3A_933, %add3A_942, %add3A_951 : vector<16xf32>, vector<16xf32>, vector<16xf32>, vector<16xf32>, vector<16xf32>, vector<16xf32>, vector<16xf32>, vector<16xf32>, vector<16xf32>, vector<16xf32>, vector<16xf32>, vector<16xf32>, vector<16xf32>, vector<16xf32>, vector<16xf32>, vector<16xf32>
      }
      %scan3A_437 = arith.constant 100 : i32
      %add3A_438 = arith.addf %scan3A_436#0, %scan3A_436#8 : vector<16xf32>
      %mul3A_439 = vector.broadcast %scan3A : f32 to vector<16xf32>
      %mul3A_440 = arith.mulf %add3A_438, %mul3A_439 : vector<16xf32>
      %swap3A_441 = arith.index_cast %add3A_358 : i32 to index
      %swap3A_442 = arith.constant 0 : index
      %swap3A_443 = tpu.vector_load %arg7[%swap3A_441, %swap3A_442] {strides = array<i32>} : memref<128x128xf32, #tpu.memory_space<vmem>>, vector<1x16xf32>,
      %swap3A_444 = vector.shape_cast %swap3A_443 : vector<1x16xf32> to vector<16xf32>
      %swap3A_445 = vector.shape_cast %mul3A_440 : vector<16xf32> to vector<1x16xf32>
      tpu.vector_store %arg7[%swap3A_441, %swap3A_442], %swap3A_445 {strides = array<i32>} : memref<128x128xf32, #tpu.memory_space<vmem>>, vector<1x16xf32>,
      %add3A_446 = arith.addf %scan3A_436#1, %scan3A_436#9 : vector<16xf32>
      %mul3A_447 = vector.broadcast %scan3A : f32 to vector<16xf32>
      %mul3A_448 = arith.mulf %add3A_446, %mul3A_447 : vector<16xf32>
      %swap3A_449 = arith.index_cast %add3A_358 : i32 to index
      %swap3A_450 = arith.constant 16 : index
      %swap3A_451 = tpu.vector_load %arg7[%swap3A_449, %swap3A_450] {strides = array<i32>} : memref<128x128xf32, #tpu.memory_space<vmem>>, vector<1x16xf32>,
      %swap3A_452 = vector.shape_cast %swap3A_451 : vector<1x16xf32> to vector<16xf32>
      %swap3A_453 = vector.shape_cast %mul3A_448 : vector<16xf32> to vector<1x16xf32>
      tpu.vector_store %arg7[%swap3A_449, %swap3A_450], %swap3A_453 {strides = array<i32>} : memref<128x128xf32, #tpu.memory_space<vmem>>, vector<1x16xf32>,
      %add3A_454 = arith.addf %scan3A_436#2, %scan3A_436#10 : vector<16xf32>
      %mul3A_455 = vector.broadcast %scan3A : f32 to vector<16xf32>
      %mul3A_456 = arith.mulf %add3A_454, %mul3A_455 : vector<16xf32>
      %swap3A_457 = arith.index_cast %add3A_358 : i32 to index
      %swap3A_458 = arith.constant 32 : index
      %swap3A_459 = tpu.vector_load %arg7[%swap3A_457, %swap3A_458] {strides = array<i32>} : memref<128x128xf32, #tpu.memory_space<vmem>>, vector<1x16xf32>,
      %swap3A_460 = vector.shape_cast %swap3A_459 : vector<1x16xf32> to vector<16xf32>
      %swap3A_461 = vector.shape_cast %mul3A_456 : vector<16xf32> to vector<1x16xf32>
      tpu.vector_store %arg7[%swap3A_457, %swap3A_458], %swap3A_461 {strides = array<i32>} : memref<128x128xf32, #tpu.memory_space<vmem>>, vector<1x16xf32>,
      %add3A_462 = arith.addf %scan3A_436#3, %scan3A_436#11 : vector<16xf32>
      %mul3A_463 = vector.broadcast %scan3A : f32 to vector<16xf32>
      %mul3A_464 = arith.mulf %add3A_462, %mul3A_463 : vector<16xf32>
      %swap3A_465 = arith.index_cast %add3A_358 : i32 to index
      %swap3A_466 = arith.constant 48 : index
      %swap3A_467 = tpu.vector_load %arg7[%swap3A_465, %swap3A_466] {strides = array<i32>} : memref<128x128xf32, #tpu.memory_space<vmem>>, vector<1x16xf32>,
      %swap3A_468 = vector.shape_cast %swap3A_467 : vector<1x16xf32> to vector<16xf32>
      %swap3A_469 = vector.shape_cast %mul3A_464 : vector<16xf32> to vector<1x16xf32>
      tpu.vector_store %arg7[%swap3A_465, %swap3A_466], %swap3A_469 {strides = array<i32>} : memref<128x128xf32, #tpu.memory_space<vmem>>, vector<1x16xf32>,
      %add3A_470 = arith.addf %scan3A_436#4, %scan3A_436#12 : vector<16xf32>
      %mul3A_471 = vector.broadcast %scan3A : f32 to vector<16xf32>
      %mul3A_472 = arith.mulf %add3A_470, %mul3A_471 : vector<16xf32>
      %swap3A_473 = arith.index_cast %add3A_358 : i32 to index
      %swap3A_474 = arith.constant 64 : index
      %swap3A_475 = tpu.vector_load %arg7[%swap3A_473, %swap3A_474] {strides = array<i32>} : memref<128x128xf32, #tpu.memory_space<vmem>>, vector<1x16xf32>,
      %swap3A_476 = vector.shape_cast %swap3A_475 : vector<1x16xf32> to vector<16xf32>
      %swap3A_477 = vector.shape_cast %mul3A_472 : vector<16xf32> to vector<1x16xf32>
      tpu.vector_store %arg7[%swap3A_473, %swap3A_474], %swap3A_477 {strides = array<i32>} : memref<128x128xf32, #tpu.memory_space<vmem>>, vector<1x16xf32>,
      %add3A_478 = arith.addf %scan3A_436#5, %scan3A_436#13 : vector<16xf32>
      %mul3A_479 = vector.broadcast %scan3A : f32 to vector<16xf32>
      %mul3A_480 = arith.mulf %add3A_478, %mul3A_479 : vector<16xf32>
      %swap3A_481 = arith.index_cast %add3A_358 : i32 to index
      %swap3A_482 = arith.constant 80 : index
      %swap3A_483 = tpu.vector_load %arg7[%swap3A_481, %swap3A_482] {strides = array<i32>} : memref<128x128xf32, #tpu.memory_space<vmem>>, vector<1x16xf32>,
      %swap3A_484 = vector.shape_cast %swap3A_483 : vector<1x16xf32> to vector<16xf32>
      %swap3A_485 = vector.shape_cast %mul3A_480 : vector<16xf32> to vector<1x16xf32>
      tpu.vector_store %arg7[%swap3A_481, %swap3A_482], %swap3A_485 {strides = array<i32>} : memref<128x128xf32, #tpu.memory_space<vmem>>, vector<1x16xf32>,
      %add3A_486 = arith.addf %scan3A_436#6, %scan3A_436#14 : vector<16xf32>
      %mul3A_487 = vector.broadcast %scan3A : f32 to vector<16xf32>
      %mul3A_488 = arith.mulf %add3A_486, %mul3A_487 : vector<16xf32>
      %swap3A_489 = arith.index_cast %add3A_358 : i32 to index
      %swap3A_490 = arith.constant 96 : index
      %swap3A_491 = tpu.vector_load %arg7[%swap3A_489, %swap3A_490] {strides = array<i32>} : memref<128x128xf32, #tpu.memory_space<vmem>>, vector<1x16xf32>,
      %swap3A_492 = vector.shape_cast %swap3A_491 : vector<1x16xf32> to vector<16xf32>
      %swap3A_493 = vector.shape_cast %mul3A_488 : vector<16xf32> to vector<1x16xf32>
      tpu.vector_store %arg7[%swap3A_489, %swap3A_490], %swap3A_493 {strides = array<i32>} : memref<128x128xf32, #tpu.memory_space<vmem>>, vector<1x16xf32>,
      %add3A_494 = arith.addf %scan3A_436#7, %scan3A_436#15 : vector<16xf32>
      %mul3A_495 = vector.broadcast %scan3A : f32 to vector<16xf32>
      %mul3A_496 = arith.mulf %add3A_494, %mul3A_495 : vector<16xf32>
      %swap3A_497 = arith.index_cast %add3A_358 : i32 to index
      %swap3A_498 = arith.constant 112 : index
      %swap3A_499 = tpu.vector_load %arg7[%swap3A_497, %swap3A_498] {strides = array<i32>} : memref<128x128xf32, #tpu.memory_space<vmem>>, vector<1x16xf32>,
      %swap3A_500 = vector.shape_cast %swap3A_499 : vector<1x16xf32> to vector<16xf32>
      %swap3A_501 = vector.shape_cast %mul3A_496 : vector<16xf32> to vector<1x16xf32>
      tpu.vector_store %arg7[%swap3A_497, %swap3A_498], %swap3A_501 {strides = array<i32>} : memref<128x128xf32, #tpu.memory_space<vmem>>, vector<1x16xf32>,
      %add3A_502 = arith.constant 1 : i32
      %add3A_503 = arith.addi %add3A_356, %add3A_502 : i32
      %add3A_504 = arith.constant 2 : i32
      %add3A_505 = arith.addi %add3A_503, %add3A_504 : i32
      %dma_start3A_506 = arith.constant 0 : i32
      %dma_start3A_507 = arith.constant 0 : i32
      %dma_start3A_508 = arith.constant 0 : i32
      %dma_start3A_509 = arith.constant 0 : i32
      %dma_start3A_510 = tpu.memref_slice %arg6[%dma_start3A_507, %dma_start3A_508, %dma_start3A_509] : memref<3x200x128xf32, #tpu.memory_space<vmem>> -> memref<1x100x128xf32, #tpu.memory_space<vmem>>
      %dma_start3A_511 = tpu.memref_squeeze %dma_start3A_510 : memref<1x100x128xf32, #tpu.memory_space<vmem>> -> memref<100x128xf32, #tpu.memory_space<vmem>>
      %dma_start3A_512 = arith.constant 0 : i32
      %dma_start3A_513 = tpu.memref_slice %arg5[%add3A_505, %dma_start3A_506, %dma_start3A_512] : memref<128x2x100xi32, #tpu.memory_space<vmem>> -> memref<1x1x100xi32, #tpu.memory_space<vmem>>
      %dma_start3A_514 = tpu.memref_squeeze %dma_start3A_513 : memref<1x1x100xi32, #tpu.memory_space<vmem>> -> memref<100xi32, #tpu.memory_space<vmem>>
      %dma_start3A_515 = arith.constant 0 : i32
      %dma_start3A_516 = arith.constant 0 : i32
      %dma_start3A_517 = tpu.memref_slice %arg3[%dma_start3A_515, %dma_start3A_516] : memref<100000x128xf32, #tpu.memory_space<hbm>> -> memref<100000x128xf32, #tpu.memory_space<hbm>>
      tpu.enqueue_indirect_dma source(%dma_start3A_517 : memref<100000x128xf32, #tpu.memory_space<hbm>>) target(%dma_start3A_511 : memref<100x128xf32, #tpu.memory_space<vmem>>) offsets(%dma_start3A_514 : memref<100xi32, #tpu.memory_space<vmem>>) semaphore(%arg8 : memref<!tpu.dma_semaphore, #tpu.memory_space<semaphore_mem>>)
      %dma_start3A_518 = arith.constant 1 : i32
      %dma_start3A_519 = arith.constant 0 : i32
      %dma_start3A_520 = arith.constant 100 : i32
      %dma_start3A_521 = arith.constant 0 : i32
      %dma_start3A_522 = tpu.memref_slice %arg6[%dma_start3A_519, %dma_start3A_520, %dma_start3A_521] : memref<3x200x128xf32, #tpu.memory_space<vmem>> -> memref<1x100x128xf32, #tpu.memory_space<vmem>>
      %dma_start3A_523 = tpu.memref_squeeze %dma_start3A_522 : memref<1x100x128xf32, #tpu.memory_space<vmem>> -> memref<100x128xf32, #tpu.memory_space<vmem>>
      %dma_start3A_524 = arith.constant 0 : i32
      %dma_start3A_525 = tpu.memref_slice %arg5[%add3A_505, %dma_start3A_518, %dma_start3A_524] : memref<128x2x100xi32, #tpu.memory_space<vmem>> -> memref<1x1x100xi32, #tpu.memory_space<vmem>>
      %dma_start3A_526 = tpu.memref_squeeze %dma_start3A_525 : memref<1x1x100xi32, #tpu.memory_space<vmem>> -> memref<100xi32, #tpu.memory_space<vmem>>
      %dma_start3A_527 = arith.constant 0 : i32
      %dma_start3A_528 = arith.constant 0 : i32
      %dma_start3A_529 = tpu.memref_slice %arg3[%dma_start3A_527, %dma_start3A_528] : memref<100000x128xf32, #tpu.memory_space<hbm>> -> memref<100000x128xf32, #tpu.memory_space<hbm>>
      tpu.enqueue_indirect_dma source(%dma_start3A_529 : memref<100000x128xf32, #tpu.memory_space<hbm>>) target(%dma_start3A_523 : memref<100x128xf32, #tpu.memory_space<vmem>>) offsets(%dma_start3A_526 : memref<100xi32, #tpu.memory_space<vmem>>) semaphore(%arg8 : memref<!tpu.dma_semaphore, #tpu.memory_space<semaphore_mem>>)
      %dma_wait3A_530 = arith.constant 1 : i32
      %dma_wait3A_531 = arith.constant 0 : i32
      %dma_wait3A_532 = arith.constant 0 : i32
      %dma_wait3A_533 = tpu.memref_slice %arg6[%dma_wait3A_530, %dma_wait3A_531, %dma_wait3A_532] : memref<3x200x128xf32, #tpu.memory_space<vmem>> -> memref<1x200x128xf32, #tpu.memory_space<vmem>>
      %dma_wait3A_534 = tpu.memref_squeeze %dma_wait3A_533 : memref<1x200x128xf32, #tpu.memory_space<vmem>> -> memref<200x128xf32, #tpu.memory_space<vmem>>
      %dma_wait3A_535 = arith.constant 0 : i32
      %dma_wait3A_536 = arith.constant 0 : i32
      %dma_wait3A_537 = tpu.memref_slice %arg3[%dma_wait3A_535, %dma_wait3A_536] : memref<100000x128xf32, #tpu.memory_space<hbm>> -> memref<200x128xf32, #tpu.memory_space<hbm>>
      %dma_wait3A_538 = arith.constant 0 : i32
      %dma_wait3A_539 = arith.constant 0 : i32
      %dma_wait3A_540 = tpu.memref_slice %arg6[%dma_wait3A_530, %dma_wait3A_538, %dma_wait3A_539] : memref<3x200x128xf32, #tpu.memory_space<vmem>> -> memref<1x200x128xf32, #tpu.memory_space<vmem>>
      %dma_wait3A_541 = tpu.memref_squeeze %dma_wait3A_540 : memref<1x200x128xf32, #tpu.memory_space<vmem>> -> memref<200x128xf32, #tpu.memory_space<vmem>>
      %dma_wait3A_542 = arith.constant 0 : i32
      %dma_wait3A_543 = arith.constant 0 : i32
      %dma_wait3A_544 = tpu.memref_slice %arg3[%dma_wait3A_542, %dma_wait3A_543] : memref<100000x128xf32, #tpu.memory_space<hbm>> -> memref<200x128xf32, #tpu.memory_space<hbm>>
      tpu.wait_dma2 semaphore(%arg9 : memref<!tpu.dma_semaphore, #tpu.memory_space<semaphore_mem>>) src(%dma_wait3A_544 : memref<200x128xf32, #tpu.memory_space<hbm>>) dst(%dma_wait3A_541 : memref<200x128xf32, #tpu.memory_space<vmem>>)
      %broadcast_in_dim3A_545 = arith.constant 0.000000e+00 : f32
      %broadcast_in_dim3A_546 = vector.broadcast %broadcast_in_dim3A_545 : f32 to vector<16xf32>
      %broadcast_in_dim3A_547 = arith.constant 0.000000e+00 : f32
      %broadcast_in_dim3A_548 = vector.broadcast %broadcast_in_dim3A_547 : f32 to vector<16xf32>
      %broadcast_in_dim3A_549 = arith.constant 0.000000e+00 : f32
      %broadcast_in_dim3A_550 = vector.broadcast %broadcast_in_dim3A_549 : f32 to vector<16xf32>
      %broadcast_in_dim3A_551 = arith.constant 0.000000e+00 : f32
      %broadcast_in_dim3A_552 = vector.broadcast %broadcast_in_dim3A_551 : f32 to vector<16xf32>
      %broadcast_in_dim3A_553 = arith.constant 0.000000e+00 : f32
      %broadcast_in_dim3A_554 = vector.broadcast %broadcast_in_dim3A_553 : f32 to vector<16xf32>
      %broadcast_in_dim3A_555 = arith.constant 0.000000e+00 : f32
      %broadcast_in_dim3A_556 = vector.broadcast %broadcast_in_dim3A_555 : f32 to vector<16xf32>
      %broadcast_in_dim3A_557 = arith.constant 0.000000e+00 : f32
      %broadcast_in_dim3A_558 = vector.broadcast %broadcast_in_dim3A_557 : f32 to vector<16xf32>
      %broadcast_in_dim3A_559 = arith.constant 0.000000e+00 : f32
      %broadcast_in_dim3A_560 = vector.broadcast %broadcast_in_dim3A_559 : f32 to vector<16xf32>
      %broadcast_in_dim3A_561 = arith.constant 0.000000e+00 : f32
      %broadcast_in_dim3A_562 = vector.broadcast %broadcast_in_dim3A_561 : f32 to vector<16xf32>
      %broadcast_in_dim3A_563 = arith.constant 0.000000e+00 : f32
      %broadcast_in_dim3A_564 = vector.broadcast %broadcast_in_dim3A_563 : f32 to vector<16xf32>
      %broadcast_in_dim3A_565 = arith.constant 0.000000e+00 : f32
      %broadcast_in_dim3A_566 = vector.broadcast %broadcast_in_dim3A_565 : f32 to vector<16xf32>
      %broadcast_in_dim3A_567 = arith.constant 0.000000e+00 : f32
      %broadcast_in_dim3A_568 = vector.broadcast %broadcast_in_dim3A_567 : f32 to vector<16xf32>
      %broadcast_in_dim3A_569 = arith.constant 0.000000e+00 : f32
      %broadcast_in_dim3A_570 = vector.broadcast %broadcast_in_dim3A_569 : f32 to vector<16xf32>
      %broadcast_in_dim3A_571 = arith.constant 0.000000e+00 : f32
      %broadcast_in_dim3A_572 = vector.broadcast %broadcast_in_dim3A_571 : f32 to vector<16xf32>
      %broadcast_in_dim3A_573 = arith.constant 0.000000e+00 : f32
      %broadcast_in_dim3A_574 = vector.broadcast %broadcast_in_dim3A_573 : f32 to vector<16xf32>
      %broadcast_in_dim3A_575 = arith.constant 0.000000e+00 : f32
      %broadcast_in_dim3A_576 = vector.broadcast %broadcast_in_dim3A_575 : f32 to vector<16xf32>
      %scan3A_577 = arith.constant 0 : i32
      %scan3A_578 = arith.constant 100 : i32
      %scan3A_579 = arith.addi %scan3A_577, %scan3A_578 : i32
      %scan3A_580 = arith.constant 1 : i32
      %scan3A_581:16 = scf.for %scan3A_792 = %scan3A_577 to %scan3A_579 step %scan3A_580 iter_args(%scan3A_793 = %broadcast_in_dim3A_546, %scan3A_794 = %broadcast_in_dim3A_548, %scan3A_795 = %broadcast_in_dim3A_550, %scan3A_796 = %broadcast_in_dim3A_552, %scan3A_797 = %broadcast_in_dim3A_554, %scan3A_798 = %broadcast_in_dim3A_556, %scan3A_799 = %broadcast_in_dim3A_558, %scan3A_800 = %broadcast_in_dim3A_560, %scan3A_801 = %broadcast_in_dim3A_562, %scan3A_802 = %broadcast_in_dim3A_564, %scan3A_803 = %broadcast_in_dim3A_566, %scan3A_804 = %broadcast_in_dim3A_568, %scan3A_805 = %broadcast_in_dim3A_570, %scan3A_806 = %broadcast_in_dim3A_572, %scan3A_807 = %broadcast_in_dim3A_574, %scan3A_808 = %broadcast_in_dim3A_576) -> (vector<16xf32>, vector<16xf32>, vector<16xf32>, vector<16xf32>, vector<16xf32>, vector<16xf32>, vector<16xf32>, vector<16xf32>, vector<16xf32>, vector<16xf32>, vector<16xf32>, vector<16xf32>, vector<16xf32>, vector<16xf32>, vector<16xf32>, vector<16xf32>)  : i32 {
        %add3A_809 = arith.constant 0 : i32
        %add3A_810 = arith.addi %add3A_809, %scan3A_792 : i32
        %get3A = arith.constant 1 : i32
        %get3A_811 = arith.index_cast %get3A : i32 to index
        %get3A_812 = arith.index_cast %add3A_810 : i32 to index
        %get3A_813 = arith.constant 0 : index
        %get3A_814 = tpu.vector_load %arg6[%get3A_811, %get3A_812, %get3A_813] {strides = array<i32>} : memref<3x200x128xf32, #tpu.memory_space<vmem>>, vector<1x1x16xf32>,
        %get3A_815 = vector.shape_cast %get3A_814 : vector<1x1x16xf32> to vector<16xf32>
        %add3A_816 = arith.addf %scan3A_793, %get3A_815 : vector<16xf32>
        %add3A_817 = arith.constant 0 : i32
        %add3A_818 = arith.addi %add3A_817, %scan3A_792 : i32
        %get3A_819 = arith.constant 1 : i32
        %get3A_820 = arith.index_cast %get3A_819 : i32 to index
        %get3A_821 = arith.index_cast %add3A_818 : i32 to index
        %get3A_822 = arith.constant 16 : index
        %get3A_823 = tpu.vector_load %arg6[%get3A_820, %get3A_821, %get3A_822] {strides = array<i32>} : memref<3x200x128xf32, #tpu.memory_space<vmem>>, vector<1x1x16xf32>,
        %get3A_824 = vector.shape_cast %get3A_823 : vector<1x1x16xf32> to vector<16xf32>
        %add3A_825 = arith.addf %scan3A_794, %get3A_824 : vector<16xf32>
        %add3A_826 = arith.constant 0 : i32
        %add3A_827 = arith.addi %add3A_826, %scan3A_792 : i32
        %get3A_828 = arith.constant 1 : i32
        %get3A_829 = arith.index_cast %get3A_828 : i32 to index
        %get3A_830 = arith.index_cast %add3A_827 : i32 to index
        %get3A_831 = arith.constant 32 : index
        %get3A_832 = tpu.vector_load %arg6[%get3A_829, %get3A_830, %get3A_831] {strides = array<i32>} : memref<3x200x128xf32, #tpu.memory_space<vmem>>, vector<1x1x16xf32>,
        %get3A_833 = vector.shape_cast %get3A_832 : vector<1x1x16xf32> to vector<16xf32>
        %add3A_834 = arith.addf %scan3A_795, %get3A_833 : vector<16xf32>
        %add3A_835 = arith.constant 0 : i32
        %add3A_836 = arith.addi %add3A_835, %scan3A_792 : i32
        %get3A_837 = arith.constant 1 : i32
        %get3A_838 = arith.index_cast %get3A_837 : i32 to index
        %get3A_839 = arith.index_cast %add3A_836 : i32 to index
        %get3A_840 = arith.constant 48 : index
        %get3A_841 = tpu.vector_load %arg6[%get3A_838, %get3A_839, %get3A_840] {strides = array<i32>} : memref<3x200x128xf32, #tpu.memory_space<vmem>>, vector<1x1x16xf32>,
        %get3A_842 = vector.shape_cast %get3A_841 : vector<1x1x16xf32> to vector<16xf32>
        %add3A_843 = arith.addf %scan3A_796, %get3A_842 : vector<16xf32>
        %add3A_844 = arith.constant 0 : i32
        %add3A_845 = arith.addi %add3A_844, %scan3A_792 : i32
        %get3A_846 = arith.constant 1 : i32
        %get3A_847 = arith.index_cast %get3A_846 : i32 to index
        %get3A_848 = arith.index_cast %add3A_845 : i32 to index
        %get3A_849 = arith.constant 64 : index
        %get3A_850 = tpu.vector_load %arg6[%get3A_847, %get3A_848, %get3A_849] {strides = array<i32>} : memref<3x200x128xf32, #tpu.memory_space<vmem>>, vector<1x1x16xf32>,
        %get3A_851 = vector.shape_cast %get3A_850 : vector<1x1x16xf32> to vector<16xf32>
        %add3A_852 = arith.addf %scan3A_797, %get3A_851 : vector<16xf32>
        %add3A_853 = arith.constant 0 : i32
        %add3A_854 = arith.addi %add3A_853, %scan3A_792 : i32
        %get3A_855 = arith.constant 1 : i32
        %get3A_856 = arith.index_cast %get3A_855 : i32 to index
        %get3A_857 = arith.index_cast %add3A_854 : i32 to index
        %get3A_858 = arith.constant 80 : index
        %get3A_859 = tpu.vector_load %arg6[%get3A_856, %get3A_857, %get3A_858] {strides = array<i32>} : memref<3x200x128xf32, #tpu.memory_space<vmem>>, vector<1x1x16xf32>,
        %get3A_860 = vector.shape_cast %get3A_859 : vector<1x1x16xf32> to vector<16xf32>
        %add3A_861 = arith.addf %scan3A_798, %get3A_860 : vector<16xf32>
        %add3A_862 = arith.constant 0 : i32
        %add3A_863 = arith.addi %add3A_862, %scan3A_792 : i32
        %get3A_864 = arith.constant 1 : i32
        %get3A_865 = arith.index_cast %get3A_864 : i32 to index
        %get3A_866 = arith.index_cast %add3A_863 : i32 to index
        %get3A_867 = arith.constant 96 : index
        %get3A_868 = tpu.vector_load %arg6[%get3A_865, %get3A_866, %get3A_867] {strides = array<i32>} : memref<3x200x128xf32, #tpu.memory_space<vmem>>, vector<1x1x16xf32>,
        %get3A_869 = vector.shape_cast %get3A_868 : vector<1x1x16xf32> to vector<16xf32>
        %add3A_870 = arith.addf %scan3A_799, %get3A_869 : vector<16xf32>
        %add3A_871 = arith.constant 0 : i32
        %add3A_872 = arith.addi %add3A_871, %scan3A_792 : i32
        %get3A_873 = arith.constant 1 : i32
        %get3A_874 = arith.index_cast %get3A_873 : i32 to index
        %get3A_875 = arith.index_cast %add3A_872 : i32 to index
        %get3A_876 = arith.constant 112 : index
        %get3A_877 = tpu.vector_load %arg6[%get3A_874, %get3A_875, %get3A_876] {strides = array<i32>} : memref<3x200x128xf32, #tpu.memory_space<vmem>>, vector<1x1x16xf32>,
        %get3A_878 = vector.shape_cast %get3A_877 : vector<1x1x16xf32> to vector<16xf32>
        %add3A_879 = arith.addf %scan3A_800, %get3A_878 : vector<16xf32>
        %add3A_880 = arith.constant 100 : i32
        %add3A_881 = arith.addi %add3A_880, %scan3A_792 : i32
        %get3A_882 = arith.constant 1 : i32
        %get3A_883 = arith.index_cast %get3A_882 : i32 to index
        %get3A_884 = arith.index_cast %add3A_881 : i32 to index
        %get3A_885 = arith.constant 0 : index
        %get3A_886 = tpu.vector_load %arg6[%get3A_883, %get3A_884, %get3A_885] {strides = array<i32>} : memref<3x200x128xf32, #tpu.memory_space<vmem>>, vector<1x1x16xf32>,
        %get3A_887 = vector.shape_cast %get3A_886 : vector<1x1x16xf32> to vector<16xf32>
        %add3A_888 = arith.addf %scan3A_801, %get3A_887 : vector<16xf32>
        %add3A_889 = arith.constant 100 : i32
        %add3A_890 = arith.addi %add3A_889, %scan3A_792 : i32
        %get3A_891 = arith.constant 1 : i32
        %get3A_892 = arith.index_cast %get3A_891 : i32 to index
        %get3A_893 = arith.index_cast %add3A_890 : i32 to index
        %get3A_894 = arith.constant 16 : index
        %get3A_895 = tpu.vector_load %arg6[%get3A_892, %get3A_893, %get3A_894] {strides = array<i32>} : memref<3x200x128xf32, #tpu.memory_space<vmem>>, vector<1x1x16xf32>,
        %get3A_896 = vector.shape_cast %get3A_895 : vector<1x1x16xf32> to vector<16xf32>
        %add3A_897 = arith.addf %scan3A_802, %get3A_896 : vector<16xf32>
        %add3A_898 = arith.constant 100 : i32
        %add3A_899 = arith.addi %add3A_898, %scan3A_792 : i32
        %get3A_900 = arith.constant 1 : i32
        %get3A_901 = arith.index_cast %get3A_900 : i32 to index
        %get3A_902 = arith.index_cast %add3A_899 : i32 to index
        %get3A_903 = arith.constant 32 : index
        %get3A_904 = tpu.vector_load %arg6[%get3A_901, %get3A_902, %get3A_903] {strides = array<i32>} : memref<3x200x128xf32, #tpu.memory_space<vmem>>, vector<1x1x16xf32>,
        %get3A_905 = vector.shape_cast %get3A_904 : vector<1x1x16xf32> to vector<16xf32>
        %add3A_906 = arith.addf %scan3A_803, %get3A_905 : vector<16xf32>
        %add3A_907 = arith.constant 100 : i32
        %add3A_908 = arith.addi %add3A_907, %scan3A_792 : i32
        %get3A_909 = arith.constant 1 : i32
        %get3A_910 = arith.index_cast %get3A_909 : i32 to index
        %get3A_911 = arith.index_cast %add3A_908 : i32 to index
        %get3A_912 = arith.constant 48 : index
        %get3A_913 = tpu.vector_load %arg6[%get3A_910, %get3A_911, %get3A_912] {strides = array<i32>} : memref<3x200x128xf32, #tpu.memory_space<vmem>>, vector<1x1x16xf32>,
        %get3A_914 = vector.shape_cast %get3A_913 : vector<1x1x16xf32> to vector<16xf32>
        %add3A_915 = arith.addf %scan3A_804, %get3A_914 : vector<16xf32>
        %add3A_916 = arith.constant 100 : i32
        %add3A_917 = arith.addi %add3A_916, %scan3A_792 : i32
        %get3A_918 = arith.constant 1 : i32
        %get3A_919 = arith.index_cast %get3A_918 : i32 to index
        %get3A_920 = arith.index_cast %add3A_917 : i32 to index
        %get3A_921 = arith.constant 64 : index
        %get3A_922 = tpu.vector_load %arg6[%get3A_919, %get3A_920, %get3A_921] {strides = array<i32>} : memref<3x200x128xf32, #tpu.memory_space<vmem>>, vector<1x1x16xf32>,
        %get3A_923 = vector.shape_cast %get3A_922 : vector<1x1x16xf32> to vector<16xf32>
        %add3A_924 = arith.addf %scan3A_805, %get3A_923 : vector<16xf32>
        %add3A_925 = arith.constant 100 : i32
        %add3A_926 = arith.addi %add3A_925, %scan3A_792 : i32
        %get3A_927 = arith.constant 1 : i32
        %get3A_928 = arith.index_cast %get3A_927 : i32 to index
        %get3A_929 = arith.index_cast %add3A_926 : i32 to index
        %get3A_930 = arith.constant 80 : index
        %get3A_931 = tpu.vector_load %arg6[%get3A_928, %get3A_929, %get3A_930] {strides = array<i32>} : memref<3x200x128xf32, #tpu.memory_space<vmem>>, vector<1x1x16xf32>,
        %get3A_932 = vector.shape_cast %get3A_931 : vector<1x1x16xf32> to vector<16xf32>
        %add3A_933 = arith.addf %scan3A_806, %get3A_932 : vector<16xf32>
        %add3A_934 = arith.constant 100 : i32
        %add3A_935 = arith.addi %add3A_934, %scan3A_792 : i32
        %get3A_936 = arith.constant 1 : i32
        %get3A_937 = arith.index_cast %get3A_936 : i32 to index
        %get3A_938 = arith.index_cast %add3A_935 : i32 to index
        %get3A_939 = arith.constant 96 : index
        %get3A_940 = tpu.vector_load %arg6[%get3A_937, %get3A_938, %get3A_939] {strides = array<i32>} : memref<3x200x128xf32, #tpu.memory_space<vmem>>, vector<1x1x16xf32>,
        %get3A_941 = vector.shape_cast %get3A_940 : vector<1x1x16xf32> to vector<16xf32>
        %add3A_942 = arith.addf %scan3A_807, %get3A_941 : vector<16xf32>
        %add3A_943 = arith.constant 100 : i32
        %add3A_944 = arith.addi %add3A_943, %scan3A_792 : i32
        %get3A_945 = arith.constant 1 : i32
        %get3A_946 = arith.index_cast %get3A_945 : i32 to index
        %get3A_947 = arith.index_cast %add3A_944 : i32 to index
        %get3A_948 = arith.constant 112 : index
        %get3A_949 = tpu.vector_load %arg6[%get3A_946, %get3A_947, %get3A_948] {strides = array<i32>} : memref<3x200x128xf32, #tpu.memory_space<vmem>>, vector<1x1x16xf32>,
        %get3A_950 = vector.shape_cast %get3A_949 : vector<1x1x16xf32> to vector<16xf32>
        %add3A_951 = arith.addf %scan3A_808, %get3A_950 : vector<16xf32>
        scf.yield %add3A_816, %add3A_825, %add3A_834, %add3A_843, %add3A_852, %add3A_861, %add3A_870, %add3A_879, %add3A_888, %add3A_897, %add3A_906, %add3A_915, %add3A_924, %add3A_933, %add3A_942, %add3A_951 : vector<16xf32>, vector<16xf32>, vector<16xf32>, vector<16xf32>, vector<16xf32>, vector<16xf32>, vector<16xf32>, vector<16xf32>, vector<16xf32>, vector<16xf32>, vector<16xf32>, vector<16xf32>, vector<16xf32>, vector<16xf32>, vector<16xf32>, vector<16xf32>
      }
      %scan3A_582 = arith.constant 100 : i32
      %add3A_583 = arith.addf %scan3A_581#0, %scan3A_581#8 : vector<16xf32>
      %mul3A_584 = vector.broadcast %scan3A : f32 to vector<16xf32>
      %mul3A_585 = arith.mulf %add3A_583, %mul3A_584 : vector<16xf32>
      %swap3A_586 = arith.index_cast %add3A_503 : i32 to index
      %swap3A_587 = arith.constant 0 : index
      %swap3A_588 = tpu.vector_load %arg7[%swap3A_586, %swap3A_587] {strides = array<i32>} : memref<128x128xf32, #tpu.memory_space<vmem>>, vector<1x16xf32>,
      %swap3A_589 = vector.shape_cast %swap3A_588 : vector<1x16xf32> to vector<16xf32>
      %swap3A_590 = vector.shape_cast %mul3A_585 : vector<16xf32> to vector<1x16xf32>
      tpu.vector_store %arg7[%swap3A_586, %swap3A_587], %swap3A_590 {strides = array<i32>} : memref<128x128xf32, #tpu.memory_space<vmem>>, vector<1x16xf32>,
      %add3A_591 = arith.addf %scan3A_581#1, %scan3A_581#9 : vector<16xf32>
      %mul3A_592 = vector.broadcast %scan3A : f32 to vector<16xf32>
      %mul3A_593 = arith.mulf %add3A_591, %mul3A_592 : vector<16xf32>
      %swap3A_594 = arith.index_cast %add3A_503 : i32 to index
      %swap3A_595 = arith.constant 16 : index
      %swap3A_596 = tpu.vector_load %arg7[%swap3A_594, %swap3A_595] {strides = array<i32>} : memref<128x128xf32, #tpu.memory_space<vmem>>, vector<1x16xf32>,
      %swap3A_597 = vector.shape_cast %swap3A_596 : vector<1x16xf32> to vector<16xf32>
      %swap3A_598 = vector.shape_cast %mul3A_593 : vector<16xf32> to vector<1x16xf32>
      tpu.vector_store %arg7[%swap3A_594, %swap3A_595], %swap3A_598 {strides = array<i32>} : memref<128x128xf32, #tpu.memory_space<vmem>>, vector<1x16xf32>,
      %add3A_599 = arith.addf %scan3A_581#2, %scan3A_581#10 : vector<16xf32>
      %mul3A_600 = vector.broadcast %scan3A : f32 to vector<16xf32>
      %mul3A_601 = arith.mulf %add3A_599, %mul3A_600 : vector<16xf32>
      %swap3A_602 = arith.index_cast %add3A_503 : i32 to index
      %swap3A_603 = arith.constant 32 : index
      %swap3A_604 = tpu.vector_load %arg7[%swap3A_602, %swap3A_603] {strides = array<i32>} : memref<128x128xf32, #tpu.memory_space<vmem>>, vector<1x16xf32>,
      %swap3A_605 = vector.shape_cast %swap3A_604 : vector<1x16xf32> to vector<16xf32>
      %swap3A_606 = vector.shape_cast %mul3A_601 : vector<16xf32> to vector<1x16xf32>
      tpu.vector_store %arg7[%swap3A_602, %swap3A_603], %swap3A_606 {strides = array<i32>} : memref<128x128xf32, #tpu.memory_space<vmem>>, vector<1x16xf32>,
      %add3A_607 = arith.addf %scan3A_581#3, %scan3A_581#11 : vector<16xf32>
      %mul3A_608 = vector.broadcast %scan3A : f32 to vector<16xf32>
      %mul3A_609 = arith.mulf %add3A_607, %mul3A_608 : vector<16xf32>
      %swap3A_610 = arith.index_cast %add3A_503 : i32 to index
      %swap3A_611 = arith.constant 48 : index
      %swap3A_612 = tpu.vector_load %arg7[%swap3A_610, %swap3A_611] {strides = array<i32>} : memref<128x128xf32, #tpu.memory_space<vmem>>, vector<1x16xf32>,
      %swap3A_613 = vector.shape_cast %swap3A_612 : vector<1x16xf32> to vector<16xf32>
      %swap3A_614 = vector.shape_cast %mul3A_609 : vector<16xf32> to vector<1x16xf32>
      tpu.vector_store %arg7[%swap3A_610, %swap3A_611], %swap3A_614 {strides = array<i32>} : memref<128x128xf32, #tpu.memory_space<vmem>>, vector<1x16xf32>,
      %add3A_615 = arith.addf %scan3A_581#4, %scan3A_581#12 : vector<16xf32>
      %mul3A_616 = vector.broadcast %scan3A : f32 to vector<16xf32>
      %mul3A_617 = arith.mulf %add3A_615, %mul3A_616 : vector<16xf32>
      %swap3A_618 = arith.index_cast %add3A_503 : i32 to index
      %swap3A_619 = arith.constant 64 : index
      %swap3A_620 = tpu.vector_load %arg7[%swap3A_618, %swap3A_619] {strides = array<i32>} : memref<128x128xf32, #tpu.memory_space<vmem>>, vector<1x16xf32>,
      %swap3A_621 = vector.shape_cast %swap3A_620 : vector<1x16xf32> to vector<16xf32>
      %swap3A_622 = vector.shape_cast %mul3A_617 : vector<16xf32> to vector<1x16xf32>
      tpu.vector_store %arg7[%swap3A_618, %swap3A_619], %swap3A_622 {strides = array<i32>} : memref<128x128xf32, #tpu.memory_space<vmem>>, vector<1x16xf32>,
      %add3A_623 = arith.addf %scan3A_581#5, %scan3A_581#13 : vector<16xf32>
      %mul3A_624 = vector.broadcast %scan3A : f32 to vector<16xf32>
      %mul3A_625 = arith.mulf %add3A_623, %mul3A_624 : vector<16xf32>
      %swap3A_626 = arith.index_cast %add3A_503 : i32 to index
      %swap3A_627 = arith.constant 80 : index
      %swap3A_628 = tpu.vector_load %arg7[%swap3A_626, %swap3A_627] {strides = array<i32>} : memref<128x128xf32, #tpu.memory_space<vmem>>, vector<1x16xf32>,
      %swap3A_629 = vector.shape_cast %swap3A_628 : vector<1x16xf32> to vector<16xf32>
      %swap3A_630 = vector.shape_cast %mul3A_625 : vector<16xf32> to vector<1x16xf32>
      tpu.vector_store %arg7[%swap3A_626, %swap3A_627], %swap3A_630 {strides = array<i32>} : memref<128x128xf32, #tpu.memory_space<vmem>>, vector<1x16xf32>,
      %add3A_631 = arith.addf %scan3A_581#6, %scan3A_581#14 : vector<16xf32>
      %mul3A_632 = vector.broadcast %scan3A : f32 to vector<16xf32>
      %mul3A_633 = arith.mulf %add3A_631, %mul3A_632 : vector<16xf32>
      %swap3A_634 = arith.index_cast %add3A_503 : i32 to index
      %swap3A_635 = arith.constant 96 : index
      %swap3A_636 = tpu.vector_load %arg7[%swap3A_634, %swap3A_635] {strides = array<i32>} : memref<128x128xf32, #tpu.memory_space<vmem>>, vector<1x16xf32>,
      %swap3A_637 = vector.shape_cast %swap3A_636 : vector<1x16xf32> to vector<16xf32>
      %swap3A_638 = vector.shape_cast %mul3A_633 : vector<16xf32> to vector<1x16xf32>
      tpu.vector_store %arg7[%swap3A_634, %swap3A_635], %swap3A_638 {strides = array<i32>} : memref<128x128xf32, #tpu.memory_space<vmem>>, vector<1x16xf32>,
      %add3A_639 = arith.addf %scan3A_581#7, %scan3A_581#15 : vector<16xf32>
      %mul3A_640 = vector.broadcast %scan3A : f32 to vector<16xf32>
      %mul3A_641 = arith.mulf %add3A_639, %mul3A_640 : vector<16xf32>
      %swap3A_642 = arith.index_cast %add3A_503 : i32 to index
      %swap3A_643 = arith.constant 112 : index
      %swap3A_644 = tpu.vector_load %arg7[%swap3A_642, %swap3A_643] {strides = array<i32>} : memref<128x128xf32, #tpu.memory_space<vmem>>, vector<1x16xf32>,
      %swap3A_645 = vector.shape_cast %swap3A_644 : vector<1x16xf32> to vector<16xf32>
      %swap3A_646 = vector.shape_cast %mul3A_641 : vector<16xf32> to vector<1x16xf32>
      tpu.vector_store %arg7[%swap3A_642, %swap3A_643], %swap3A_646 {strides = array<i32>} : memref<128x128xf32, #tpu.memory_space<vmem>>, vector<1x16xf32>,
      %add3A_647 = arith.constant 2 : i32
      %add3A_648 = arith.addi %add3A_356, %add3A_647 : i32
      %add3A_649 = arith.constant 2 : i32
      %add3A_650 = arith.addi %add3A_648, %add3A_649 : i32
      %dma_start3A_651 = arith.constant 0 : i32
      %dma_start3A_652 = arith.constant 1 : i32
      %dma_start3A_653 = arith.constant 0 : i32
      %dma_start3A_654 = arith.constant 0 : i32
      %dma_start3A_655 = tpu.memref_slice %arg6[%dma_start3A_652, %dma_start3A_653, %dma_start3A_654] : memref<3x200x128xf32, #tpu.memory_space<vmem>> -> memref<1x100x128xf32, #tpu.memory_space<vmem>>
      %dma_start3A_656 = tpu.memref_squeeze %dma_start3A_655 : memref<1x100x128xf32, #tpu.memory_space<vmem>> -> memref<100x128xf32, #tpu.memory_space<vmem>>
      %dma_start3A_657 = arith.constant 0 : i32
      %dma_start3A_658 = tpu.memref_slice %arg5[%add3A_650, %dma_start3A_651, %dma_start3A_657] : memref<128x2x100xi32, #tpu.memory_space<vmem>> -> memref<1x1x100xi32, #tpu.memory_space<vmem>>
      %dma_start3A_659 = tpu.memref_squeeze %dma_start3A_658 : memref<1x1x100xi32, #tpu.memory_space<vmem>> -> memref<100xi32, #tpu.memory_space<vmem>>
      %dma_start3A_660 = arith.constant 0 : i32
      %dma_start3A_661 = arith.constant 0 : i32
      %dma_start3A_662 = tpu.memref_slice %arg3[%dma_start3A_660, %dma_start3A_661] : memref<100000x128xf32, #tpu.memory_space<hbm>> -> memref<100000x128xf32, #tpu.memory_space<hbm>>
      tpu.enqueue_indirect_dma source(%dma_start3A_662 : memref<100000x128xf32, #tpu.memory_space<hbm>>) target(%dma_start3A_656 : memref<100x128xf32, #tpu.memory_space<vmem>>) offsets(%dma_start3A_659 : memref<100xi32, #tpu.memory_space<vmem>>) semaphore(%arg9 : memref<!tpu.dma_semaphore, #tpu.memory_space<semaphore_mem>>)
      %dma_start3A_663 = arith.constant 1 : i32
      %dma_start3A_664 = arith.constant 1 : i32
      %dma_start3A_665 = arith.constant 100 : i32
      %dma_start3A_666 = arith.constant 0 : i32
      %dma_start3A_667 = tpu.memref_slice %arg6[%dma_start3A_664, %dma_start3A_665, %dma_start3A_666] : memref<3x200x128xf32, #tpu.memory_space<vmem>> -> memref<1x100x128xf32, #tpu.memory_space<vmem>>
      %dma_start3A_668 = tpu.memref_squeeze %dma_start3A_667 : memref<1x100x128xf32, #tpu.memory_space<vmem>> -> memref<100x128xf32, #tpu.memory_space<vmem>>
      %dma_start3A_669 = arith.constant 0 : i32
      %dma_start3A_670 = tpu.memref_slice %arg5[%add3A_650, %dma_start3A_663, %dma_start3A_669] : memref<128x2x100xi32, #tpu.memory_space<vmem>> -> memref<1x1x100xi32, #tpu.memory_space<vmem>>
      %dma_start3A_671 = tpu.memref_squeeze %dma_start3A_670 : memref<1x1x100xi32, #tpu.memory_space<vmem>> -> memref<100xi32, #tpu.memory_space<vmem>>
      %dma_start3A_672 = arith.constant 0 : i32
      %dma_start3A_673 = arith.constant 0 : i32
      %dma_start3A_674 = tpu.memref_slice %arg3[%dma_start3A_672, %dma_start3A_673] : memref<100000x128xf32, #tpu.memory_space<hbm>> -> memref<100000x128xf32, #tpu.memory_space<hbm>>
      tpu.enqueue_indirect_dma source(%dma_start3A_674 : memref<100000x128xf32, #tpu.memory_space<hbm>>) target(%dma_start3A_668 : memref<100x128xf32, #tpu.memory_space<vmem>>) offsets(%dma_start3A_671 : memref<100xi32, #tpu.memory_space<vmem>>) semaphore(%arg9 : memref<!tpu.dma_semaphore, #tpu.memory_space<semaphore_mem>>)
      %dma_wait3A_675 = arith.constant 2 : i32
      %dma_wait3A_676 = arith.constant 0 : i32
      %dma_wait3A_677 = arith.constant 0 : i32
      %dma_wait3A_678 = tpu.memref_slice %arg6[%dma_wait3A_675, %dma_wait3A_676, %dma_wait3A_677] : memref<3x200x128xf32, #tpu.memory_space<vmem>> -> memref<1x200x128xf32, #tpu.memory_space<vmem>>
      %dma_wait3A_679 = tpu.memref_squeeze %dma_wait3A_678 : memref<1x200x128xf32, #tpu.memory_space<vmem>> -> memref<200x128xf32, #tpu.memory_space<vmem>>
      %dma_wait3A_680 = arith.constant 0 : i32
      %dma_wait3A_681 = arith.constant 0 : i32
      %dma_wait3A_682 = tpu.memref_slice %arg3[%dma_wait3A_680, %dma_wait3A_681] : memref<100000x128xf32, #tpu.memory_space<hbm>> -> memref<200x128xf32, #tpu.memory_space<hbm>>
      %dma_wait3A_683 = arith.constant 0 : i32
      %dma_wait3A_684 = arith.constant 0 : i32
      %dma_wait3A_685 = tpu.memref_slice %arg6[%dma_wait3A_675, %dma_wait3A_683, %dma_wait3A_684] : memref<3x200x128xf32, #tpu.memory_space<vmem>> -> memref<1x200x128xf32, #tpu.memory_space<vmem>>
      %dma_wait3A_686 = tpu.memref_squeeze %dma_wait3A_685 : memref<1x200x128xf32, #tpu.memory_space<vmem>> -> memref<200x128xf32, #tpu.memory_space<vmem>>
      %dma_wait3A_687 = arith.constant 0 : i32
      %dma_wait3A_688 = arith.constant 0 : i32
      %dma_wait3A_689 = tpu.memref_slice %arg3[%dma_wait3A_687, %dma_wait3A_688] : memref<100000x128xf32, #tpu.memory_space<hbm>> -> memref<200x128xf32, #tpu.memory_space<hbm>>
      tpu.wait_dma2 semaphore(%arg10 : memref<!tpu.dma_semaphore, #tpu.memory_space<semaphore_mem>>) src(%dma_wait3A_689 : memref<200x128xf32, #tpu.memory_space<hbm>>) dst(%dma_wait3A_686 : memref<200x128xf32, #tpu.memory_space<vmem>>)
      %broadcast_in_dim3A_690 = arith.constant 0.000000e+00 : f32
      %broadcast_in_dim3A_691 = vector.broadcast %broadcast_in_dim3A_690 : f32 to vector<16xf32>
      %broadcast_in_dim3A_692 = arith.constant 0.000000e+00 : f32
      %broadcast_in_dim3A_693 = vector.broadcast %broadcast_in_dim3A_692 : f32 to vector<16xf32>
      %broadcast_in_dim3A_694 = arith.constant 0.000000e+00 : f32
      %broadcast_in_dim3A_695 = vector.broadcast %broadcast_in_dim3A_694 : f32 to vector<16xf32>
      %broadcast_in_dim3A_696 = arith.constant 0.000000e+00 : f32
      %broadcast_in_dim3A_697 = vector.broadcast %broadcast_in_dim3A_696 : f32 to vector<16xf32>
      %broadcast_in_dim3A_698 = arith.constant 0.000000e+00 : f32
      %broadcast_in_dim3A_699 = vector.broadcast %broadcast_in_dim3A_698 : f32 to vector<16xf32>
      %broadcast_in_dim3A_700 = arith.constant 0.000000e+00 : f32
      %broadcast_in_dim3A_701 = vector.broadcast %broadcast_in_dim3A_700 : f32 to vector<16xf32>
      %broadcast_in_dim3A_702 = arith.constant 0.000000e+00 : f32
      %broadcast_in_dim3A_703 = vector.broadcast %broadcast_in_dim3A_702 : f32 to vector<16xf32>
      %broadcast_in_dim3A_704 = arith.constant 0.000000e+00 : f32
      %broadcast_in_dim3A_705 = vector.broadcast %broadcast_in_dim3A_704 : f32 to vector<16xf32>
      %broadcast_in_dim3A_706 = arith.constant 0.000000e+00 : f32
      %broadcast_in_dim3A_707 = vector.broadcast %broadcast_in_dim3A_706 : f32 to vector<16xf32>
      %broadcast_in_dim3A_708 = arith.constant 0.000000e+00 : f32
      %broadcast_in_dim3A_709 = vector.broadcast %broadcast_in_dim3A_708 : f32 to vector<16xf32>
      %broadcast_in_dim3A_710 = arith.constant 0.000000e+00 : f32
      %broadcast_in_dim3A_711 = vector.broadcast %broadcast_in_dim3A_710 : f32 to vector<16xf32>
      %broadcast_in_dim3A_712 = arith.constant 0.000000e+00 : f32
      %broadcast_in_dim3A_713 = vector.broadcast %broadcast_in_dim3A_712 : f32 to vector<16xf32>
      %broadcast_in_dim3A_714 = arith.constant 0.000000e+00 : f32
      %broadcast_in_dim3A_715 = vector.broadcast %broadcast_in_dim3A_714 : f32 to vector<16xf32>
      %broadcast_in_dim3A_716 = arith.constant 0.000000e+00 : f32
      %broadcast_in_dim3A_717 = vector.broadcast %broadcast_in_dim3A_716 : f32 to vector<16xf32>
      %broadcast_in_dim3A_718 = arith.constant 0.000000e+00 : f32
      %broadcast_in_dim3A_719 = vector.broadcast %broadcast_in_dim3A_718 : f32 to vector<16xf32>
      %broadcast_in_dim3A_720 = arith.constant 0.000000e+00 : f32
      %broadcast_in_dim3A_721 = vector.broadcast %broadcast_in_dim3A_720 : f32 to vector<16xf32>
      %scan3A_722 = arith.constant 0 : i32
      %scan3A_723 = arith.constant 100 : i32
      %scan3A_724 = arith.addi %scan3A_722, %scan3A_723 : i32
      %scan3A_725 = arith.constant 1 : i32
      %scan3A_726:16 = scf.for %scan3A_792 = %scan3A_722 to %scan3A_724 step %scan3A_725 iter_args(%scan3A_793 = %broadcast_in_dim3A_691, %scan3A_794 = %broadcast_in_dim3A_693, %scan3A_795 = %broadcast_in_dim3A_695, %scan3A_796 = %broadcast_in_dim3A_697, %scan3A_797 = %broadcast_in_dim3A_699, %scan3A_798 = %broadcast_in_dim3A_701, %scan3A_799 = %broadcast_in_dim3A_703, %scan3A_800 = %broadcast_in_dim3A_705, %scan3A_801 = %broadcast_in_dim3A_707, %scan3A_802 = %broadcast_in_dim3A_709, %scan3A_803 = %broadcast_in_dim3A_711, %scan3A_804 = %broadcast_in_dim3A_713, %scan3A_805 = %broadcast_in_dim3A_715, %scan3A_806 = %broadcast_in_dim3A_717, %scan3A_807 = %broadcast_in_dim3A_719, %scan3A_808 = %broadcast_in_dim3A_721) -> (vector<16xf32>, vector<16xf32>, vector<16xf32>, vector<16xf32>, vector<16xf32>, vector<16xf32>, vector<16xf32>, vector<16xf32>, vector<16xf32>, vector<16xf32>, vector<16xf32>, vector<16xf32>, vector<16xf32>, vector<16xf32>, vector<16xf32>, vector<16xf32>)  : i32 {
        %add3A_809 = arith.constant 0 : i32
        %add3A_810 = arith.addi %add3A_809, %scan3A_792 : i32
        %get3A = arith.constant 2 : i32
        %get3A_811 = arith.index_cast %get3A : i32 to index
        %get3A_812 = arith.index_cast %add3A_810 : i32 to index
        %get3A_813 = arith.constant 0 : index
        %get3A_814 = tpu.vector_load %arg6[%get3A_811, %get3A_812, %get3A_813] {strides = array<i32>} : memref<3x200x128xf32, #tpu.memory_space<vmem>>, vector<1x1x16xf32>,
        %get3A_815 = vector.shape_cast %get3A_814 : vector<1x1x16xf32> to vector<16xf32>
        %add3A_816 = arith.addf %scan3A_793, %get3A_815 : vector<16xf32>
        %add3A_817 = arith.constant 0 : i32
        %add3A_818 = arith.addi %add3A_817, %scan3A_792 : i32
        %get3A_819 = arith.constant 2 : i32
        %get3A_820 = arith.index_cast %get3A_819 : i32 to index
        %get3A_821 = arith.index_cast %add3A_818 : i32 to index
        %get3A_822 = arith.constant 16 : index
        %get3A_823 = tpu.vector_load %arg6[%get3A_820, %get3A_821, %get3A_822] {strides = array<i32>} : memref<3x200x128xf32, #tpu.memory_space<vmem>>, vector<1x1x16xf32>,
        %get3A_824 = vector.shape_cast %get3A_823 : vector<1x1x16xf32> to vector<16xf32>
        %add3A_825 = arith.addf %scan3A_794, %get3A_824 : vector<16xf32>
        %add3A_826 = arith.constant 0 : i32
        %add3A_827 = arith.addi %add3A_826, %scan3A_792 : i32
        %get3A_828 = arith.constant 2 : i32
        %get3A_829 = arith.index_cast %get3A_828 : i32 to index
        %get3A_830 = arith.index_cast %add3A_827 : i32 to index
        %get3A_831 = arith.constant 32 : index
        %get3A_832 = tpu.vector_load %arg6[%get3A_829, %get3A_830, %get3A_831] {strides = array<i32>} : memref<3x200x128xf32, #tpu.memory_space<vmem>>, vector<1x1x16xf32>,
        %get3A_833 = vector.shape_cast %get3A_832 : vector<1x1x16xf32> to vector<16xf32>
        %add3A_834 = arith.addf %scan3A_795, %get3A_833 : vector<16xf32>
        %add3A_835 = arith.constant 0 : i32
        %add3A_836 = arith.addi %add3A_835, %scan3A_792 : i32
        %get3A_837 = arith.constant 2 : i32
        %get3A_838 = arith.index_cast %get3A_837 : i32 to index
        %get3A_839 = arith.index_cast %add3A_836 : i32 to index
        %get3A_840 = arith.constant 48 : index
        %get3A_841 = tpu.vector_load %arg6[%get3A_838, %get3A_839, %get3A_840] {strides = array<i32>} : memref<3x200x128xf32, #tpu.memory_space<vmem>>, vector<1x1x16xf32>,
        %get3A_842 = vector.shape_cast %get3A_841 : vector<1x1x16xf32> to vector<16xf32>
        %add3A_843 = arith.addf %scan3A_796, %get3A_842 : vector<16xf32>
        %add3A_844 = arith.constant 0 : i32
        %add3A_845 = arith.addi %add3A_844, %scan3A_792 : i32
        %get3A_846 = arith.constant 2 : i32
        %get3A_847 = arith.index_cast %get3A_846 : i32 to index
        %get3A_848 = arith.index_cast %add3A_845 : i32 to index
        %get3A_849 = arith.constant 64 : index
        %get3A_850 = tpu.vector_load %arg6[%get3A_847, %get3A_848, %get3A_849] {strides = array<i32>} : memref<3x200x128xf32, #tpu.memory_space<vmem>>, vector<1x1x16xf32>,
        %get3A_851 = vector.shape_cast %get3A_850 : vector<1x1x16xf32> to vector<16xf32>
        %add3A_852 = arith.addf %scan3A_797, %get3A_851 : vector<16xf32>
        %add3A_853 = arith.constant 0 : i32
        %add3A_854 = arith.addi %add3A_853, %scan3A_792 : i32
        %get3A_855 = arith.constant 2 : i32
        %get3A_856 = arith.index_cast %get3A_855 : i32 to index
        %get3A_857 = arith.index_cast %add3A_854 : i32 to index
        %get3A_858 = arith.constant 80 : index
        %get3A_859 = tpu.vector_load %arg6[%get3A_856, %get3A_857, %get3A_858] {strides = array<i32>} : memref<3x200x128xf32, #tpu.memory_space<vmem>>, vector<1x1x16xf32>,
        %get3A_860 = vector.shape_cast %get3A_859 : vector<1x1x16xf32> to vector<16xf32>
        %add3A_861 = arith.addf %scan3A_798, %get3A_860 : vector<16xf32>
        %add3A_862 = arith.constant 0 : i32
        %add3A_863 = arith.addi %add3A_862, %scan3A_792 : i32
        %get3A_864 = arith.constant 2 : i32
        %get3A_865 = arith.index_cast %get3A_864 : i32 to index
        %get3A_866 = arith.index_cast %add3A_863 : i32 to index
        %get3A_867 = arith.constant 96 : index
        %get3A_868 = tpu.vector_load %arg6[%get3A_865, %get3A_866, %get3A_867] {strides = array<i32>} : memref<3x200x128xf32, #tpu.memory_space<vmem>>, vector<1x1x16xf32>,
        %get3A_869 = vector.shape_cast %get3A_868 : vector<1x1x16xf32> to vector<16xf32>
        %add3A_870 = arith.addf %scan3A_799, %get3A_869 : vector<16xf32>
        %add3A_871 = arith.constant 0 : i32
        %add3A_872 = arith.addi %add3A_871, %scan3A_792 : i32
        %get3A_873 = arith.constant 2 : i32
        %get3A_874 = arith.index_cast %get3A_873 : i32 to index
        %get3A_875 = arith.index_cast %add3A_872 : i32 to index
        %get3A_876 = arith.constant 112 : index
        %get3A_877 = tpu.vector_load %arg6[%get3A_874, %get3A_875, %get3A_876] {strides = array<i32>} : memref<3x200x128xf32, #tpu.memory_space<vmem>>, vector<1x1x16xf32>,
        %get3A_878 = vector.shape_cast %get3A_877 : vector<1x1x16xf32> to vector<16xf32>
        %add3A_879 = arith.addf %scan3A_800, %get3A_878 : vector<16xf32>
        %add3A_880 = arith.constant 100 : i32
        %add3A_881 = arith.addi %add3A_880, %scan3A_792 : i32
        %get3A_882 = arith.constant 2 : i32
        %get3A_883 = arith.index_cast %get3A_882 : i32 to index
        %get3A_884 = arith.index_cast %add3A_881 : i32 to index
        %get3A_885 = arith.constant 0 : index
        %get3A_886 = tpu.vector_load %arg6[%get3A_883, %get3A_884, %get3A_885] {strides = array<i32>} : memref<3x200x128xf32, #tpu.memory_space<vmem>>, vector<1x1x16xf32>,
        %get3A_887 = vector.shape_cast %get3A_886 : vector<1x1x16xf32> to vector<16xf32>
        %add3A_888 = arith.addf %scan3A_801, %get3A_887 : vector<16xf32>
        %add3A_889 = arith.constant 100 : i32
        %add3A_890 = arith.addi %add3A_889, %scan3A_792 : i32
        %get3A_891 = arith.constant 2 : i32
        %get3A_892 = arith.index_cast %get3A_891 : i32 to index
        %get3A_893 = arith.index_cast %add3A_890 : i32 to index
        %get3A_894 = arith.constant 16 : index
        %get3A_895 = tpu.vector_load %arg6[%get3A_892, %get3A_893, %get3A_894] {strides = array<i32>} : memref<3x200x128xf32, #tpu.memory_space<vmem>>, vector<1x1x16xf32>,
        %get3A_896 = vector.shape_cast %get3A_895 : vector<1x1x16xf32> to vector<16xf32>
        %add3A_897 = arith.addf %scan3A_802, %get3A_896 : vector<16xf32>
        %add3A_898 = arith.constant 100 : i32
        %add3A_899 = arith.addi %add3A_898, %scan3A_792 : i32
        %get3A_900 = arith.constant 2 : i32
        %get3A_901 = arith.index_cast %get3A_900 : i32 to index
        %get3A_902 = arith.index_cast %add3A_899 : i32 to index
        %get3A_903 = arith.constant 32 : index
        %get3A_904 = tpu.vector_load %arg6[%get3A_901, %get3A_902, %get3A_903] {strides = array<i32>} : memref<3x200x128xf32, #tpu.memory_space<vmem>>, vector<1x1x16xf32>,
        %get3A_905 = vector.shape_cast %get3A_904 : vector<1x1x16xf32> to vector<16xf32>
        %add3A_906 = arith.addf %scan3A_803, %get3A_905 : vector<16xf32>
        %add3A_907 = arith.constant 100 : i32
        %add3A_908 = arith.addi %add3A_907, %scan3A_792 : i32
        %get3A_909 = arith.constant 2 : i32
        %get3A_910 = arith.index_cast %get3A_909 : i32 to index
        %get3A_911 = arith.index_cast %add3A_908 : i32 to index
        %get3A_912 = arith.constant 48 : index
        %get3A_913 = tpu.vector_load %arg6[%get3A_910, %get3A_911, %get3A_912] {strides = array<i32>} : memref<3x200x128xf32, #tpu.memory_space<vmem>>, vector<1x1x16xf32>,
        %get3A_914 = vector.shape_cast %get3A_913 : vector<1x1x16xf32> to vector<16xf32>
        %add3A_915 = arith.addf %scan3A_804, %get3A_914 : vector<16xf32>
        %add3A_916 = arith.constant 100 : i32
        %add3A_917 = arith.addi %add3A_916, %scan3A_792 : i32
        %get3A_918 = arith.constant 2 : i32
        %get3A_919 = arith.index_cast %get3A_918 : i32 to index
        %get3A_920 = arith.index_cast %add3A_917 : i32 to index
        %get3A_921 = arith.constant 64 : index
        %get3A_922 = tpu.vector_load %arg6[%get3A_919, %get3A_920, %get3A_921] {strides = array<i32>} : memref<3x200x128xf32, #tpu.memory_space<vmem>>, vector<1x1x16xf32>,
        %get3A_923 = vector.shape_cast %get3A_922 : vector<1x1x16xf32> to vector<16xf32>
        %add3A_924 = arith.addf %scan3A_805, %get3A_923 : vector<16xf32>
        %add3A_925 = arith.constant 100 : i32
        %add3A_926 = arith.addi %add3A_925, %scan3A_792 : i32
        %get3A_927 = arith.constant 2 : i32
        %get3A_928 = arith.index_cast %get3A_927 : i32 to index
        %get3A_929 = arith.index_cast %add3A_926 : i32 to index
        %get3A_930 = arith.constant 80 : index
        %get3A_931 = tpu.vector_load %arg6[%get3A_928, %get3A_929, %get3A_930] {strides = array<i32>} : memref<3x200x128xf32, #tpu.memory_space<vmem>>, vector<1x1x16xf32>,
        %get3A_932 = vector.shape_cast %get3A_931 : vector<1x1x16xf32> to vector<16xf32>
        %add3A_933 = arith.addf %scan3A_806, %get3A_932 : vector<16xf32>
        %add3A_934 = arith.constant 100 : i32
        %add3A_935 = arith.addi %add3A_934, %scan3A_792 : i32
        %get3A_936 = arith.constant 2 : i32
        %get3A_937 = arith.index_cast %get3A_936 : i32 to index
        %get3A_938 = arith.index_cast %add3A_935 : i32 to index
        %get3A_939 = arith.constant 96 : index
        %get3A_940 = tpu.vector_load %arg6[%get3A_937, %get3A_938, %get3A_939] {strides = array<i32>} : memref<3x200x128xf32, #tpu.memory_space<vmem>>, vector<1x1x16xf32>,
        %get3A_941 = vector.shape_cast %get3A_940 : vector<1x1x16xf32> to vector<16xf32>
        %add3A_942 = arith.addf %scan3A_807, %get3A_941 : vector<16xf32>
        %add3A_943 = arith.constant 100 : i32
        %add3A_944 = arith.addi %add3A_943, %scan3A_792 : i32
        %get3A_945 = arith.constant 2 : i32
        %get3A_946 = arith.index_cast %get3A_945 : i32 to index
        %get3A_947 = arith.index_cast %add3A_944 : i32 to index
        %get3A_948 = arith.constant 112 : index
        %get3A_949 = tpu.vector_load %arg6[%get3A_946, %get3A_947, %get3A_948] {strides = array<i32>} : memref<3x200x128xf32, #tpu.memory_space<vmem>>, vector<1x1x16xf32>,
        %get3A_950 = vector.shape_cast %get3A_949 : vector<1x1x16xf32> to vector<16xf32>
        %add3A_951 = arith.addf %scan3A_808, %get3A_950 : vector<16xf32>
        scf.yield %add3A_816, %add3A_825, %add3A_834, %add3A_843, %add3A_852, %add3A_861, %add3A_870, %add3A_879, %add3A_888, %add3A_897, %add3A_906, %add3A_915, %add3A_924, %add3A_933, %add3A_942, %add3A_951 : vector<16xf32>, vector<16xf32>, vector<16xf32>, vector<16xf32>, vector<16xf32>, vector<16xf32>, vector<16xf32>, vector<16xf32>, vector<16xf32>, vector<16xf32>, vector<16xf32>, vector<16xf32>, vector<16xf32>, vector<16xf32>, vector<16xf32>, vector<16xf32>
      }
      %scan3A_727 = arith.constant 100 : i32
      %add3A_728 = arith.addf %scan3A_726#0, %scan3A_726#8 : vector<16xf32>
      %mul3A_729 = vector.broadcast %scan3A : f32 to vector<16xf32>
      %mul3A_730 = arith.mulf %add3A_728, %mul3A_729 : vector<16xf32>
      %swap3A_731 = arith.index_cast %add3A_648 : i32 to index
      %swap3A_732 = arith.constant 0 : index
      %swap3A_733 = tpu.vector_load %arg7[%swap3A_731, %swap3A_732] {strides = array<i32>} : memref<128x128xf32, #tpu.memory_space<vmem>>, vector<1x16xf32>,
      %swap3A_734 = vector.shape_cast %swap3A_733 : vector<1x16xf32> to vector<16xf32>
      %swap3A_735 = vector.shape_cast %mul3A_730 : vector<16xf32> to vector<1x16xf32>
      tpu.vector_store %arg7[%swap3A_731, %swap3A_732], %swap3A_735 {strides = array<i32>} : memref<128x128xf32, #tpu.memory_space<vmem>>, vector<1x16xf32>,
      %add3A_736 = arith.addf %scan3A_726#1, %scan3A_726#9 : vector<16xf32>
      %mul3A_737 = vector.broadcast %scan3A : f32 to vector<16xf32>
      %mul3A_738 = arith.mulf %add3A_736, %mul3A_737 : vector<16xf32>
      %swap3A_739 = arith.index_cast %add3A_648 : i32 to index
      %swap3A_740 = arith.constant 16 : index
      %swap3A_741 = tpu.vector_load %arg7[%swap3A_739, %swap3A_740] {strides = array<i32>} : memref<128x128xf32, #tpu.memory_space<vmem>>, vector<1x16xf32>,
      %swap3A_742 = vector.shape_cast %swap3A_741 : vector<1x16xf32> to vector<16xf32>
      %swap3A_743 = vector.shape_cast %mul3A_738 : vector<16xf32> to vector<1x16xf32>
      tpu.vector_store %arg7[%swap3A_739, %swap3A_740], %swap3A_743 {strides = array<i32>} : memref<128x128xf32, #tpu.memory_space<vmem>>, vector<1x16xf32>,
      %add3A_744 = arith.addf %scan3A_726#2, %scan3A_726#10 : vector<16xf32>
      %mul3A_745 = vector.broadcast %scan3A : f32 to vector<16xf32>
      %mul3A_746 = arith.mulf %add3A_744, %mul3A_745 : vector<16xf32>
      %swap3A_747 = arith.index_cast %add3A_648 : i32 to index
      %swap3A_748 = arith.constant 32 : index
      %swap3A_749 = tpu.vector_load %arg7[%swap3A_747, %swap3A_748] {strides = array<i32>} : memref<128x128xf32, #tpu.memory_space<vmem>>, vector<1x16xf32>,
      %swap3A_750 = vector.shape_cast %swap3A_749 : vector<1x16xf32> to vector<16xf32>
      %swap3A_751 = vector.shape_cast %mul3A_746 : vector<16xf32> to vector<1x16xf32>
      tpu.vector_store %arg7[%swap3A_747, %swap3A_748], %swap3A_751 {strides = array<i32>} : memref<128x128xf32, #tpu.memory_space<vmem>>, vector<1x16xf32>,
      %add3A_752 = arith.addf %scan3A_726#3, %scan3A_726#11 : vector<16xf32>
      %mul3A_753 = vector.broadcast %scan3A : f32 to vector<16xf32>
      %mul3A_754 = arith.mulf %add3A_752, %mul3A_753 : vector<16xf32>
      %swap3A_755 = arith.index_cast %add3A_648 : i32 to index
      %swap3A_756 = arith.constant 48 : index
      %swap3A_757 = tpu.vector_load %arg7[%swap3A_755, %swap3A_756] {strides = array<i32>} : memref<128x128xf32, #tpu.memory_space<vmem>>, vector<1x16xf32>,
      %swap3A_758 = vector.shape_cast %swap3A_757 : vector<1x16xf32> to vector<16xf32>
      %swap3A_759 = vector.shape_cast %mul3A_754 : vector<16xf32> to vector<1x16xf32>
      tpu.vector_store %arg7[%swap3A_755, %swap3A_756], %swap3A_759 {strides = array<i32>} : memref<128x128xf32, #tpu.memory_space<vmem>>, vector<1x16xf32>,
      %add3A_760 = arith.addf %scan3A_726#4, %scan3A_726#12 : vector<16xf32>
      %mul3A_761 = vector.broadcast %scan3A : f32 to vector<16xf32>
      %mul3A_762 = arith.mulf %add3A_760, %mul3A_761 : vector<16xf32>
      %swap3A_763 = arith.index_cast %add3A_648 : i32 to index
      %swap3A_764 = arith.constant 64 : index
      %swap3A_765 = tpu.vector_load %arg7[%swap3A_763, %swap3A_764] {strides = array<i32>} : memref<128x128xf32, #tpu.memory_space<vmem>>, vector<1x16xf32>,
      %swap3A_766 = vector.shape_cast %swap3A_765 : vector<1x16xf32> to vector<16xf32>
      %swap3A_767 = vector.shape_cast %mul3A_762 : vector<16xf32> to vector<1x16xf32>
      tpu.vector_store %arg7[%swap3A_763, %swap3A_764], %swap3A_767 {strides = array<i32>} : memref<128x128xf32, #tpu.memory_space<vmem>>, vector<1x16xf32>,
      %add3A_768 = arith.addf %scan3A_726#5, %scan3A_726#13 : vector<16xf32>
      %mul3A_769 = vector.broadcast %scan3A : f32 to vector<16xf32>
      %mul3A_770 = arith.mulf %add3A_768, %mul3A_769 : vector<16xf32>
      %swap3A_771 = arith.index_cast %add3A_648 : i32 to index
      %swap3A_772 = arith.constant 80 : index
      %swap3A_773 = tpu.vector_load %arg7[%swap3A_771, %swap3A_772] {strides = array<i32>} : memref<128x128xf32, #tpu.memory_space<vmem>>, vector<1x16xf32>,
      %swap3A_774 = vector.shape_cast %swap3A_773 : vector<1x16xf32> to vector<16xf32>
      %swap3A_775 = vector.shape_cast %mul3A_770 : vector<16xf32> to vector<1x16xf32>
      tpu.vector_store %arg7[%swap3A_771, %swap3A_772], %swap3A_775 {strides = array<i32>} : memref<128x128xf32, #tpu.memory_space<vmem>>, vector<1x16xf32>,
      %add3A_776 = arith.addf %scan3A_726#6, %scan3A_726#14 : vector<16xf32>
      %mul3A_777 = vector.broadcast %scan3A : f32 to vector<16xf32>
      %mul3A_778 = arith.mulf %add3A_776, %mul3A_777 : vector<16xf32>
      %swap3A_779 = arith.index_cast %add3A_648 : i32 to index
      %swap3A_780 = arith.constant 96 : index
      %swap3A_781 = tpu.vector_load %arg7[%swap3A_779, %swap3A_780] {strides = array<i32>} : memref<128x128xf32, #tpu.memory_space<vmem>>, vector<1x16xf32>,
      %swap3A_782 = vector.shape_cast %swap3A_781 : vector<1x16xf32> to vector<16xf32>
      %swap3A_783 = vector.shape_cast %mul3A_778 : vector<16xf32> to vector<1x16xf32>
      tpu.vector_store %arg7[%swap3A_779, %swap3A_780], %swap3A_783 {strides = array<i32>} : memref<128x128xf32, #tpu.memory_space<vmem>>, vector<1x16xf32>,
      %add3A_784 = arith.addf %scan3A_726#7, %scan3A_726#15 : vector<16xf32>
      %mul3A_785 = vector.broadcast %scan3A : f32 to vector<16xf32>
      %mul3A_786 = arith.mulf %add3A_784, %mul3A_785 : vector<16xf32>
      %swap3A_787 = arith.index_cast %add3A_648 : i32 to index
      %swap3A_788 = arith.constant 112 : index
      %swap3A_789 = tpu.vector_load %arg7[%swap3A_787, %swap3A_788] {strides = array<i32>} : memref<128x128xf32, #tpu.memory_space<vmem>>, vector<1x16xf32>,
      %swap3A_790 = vector.shape_cast %swap3A_789 : vector<1x16xf32> to vector<16xf32>
      %swap3A_791 = vector.shape_cast %mul3A_786 : vector<16xf32> to vector<1x16xf32>
      tpu.vector_store %arg7[%swap3A_787, %swap3A_788], %swap3A_791 {strides = array<i32>} : memref<128x128xf32, #tpu.memory_space<vmem>>, vector<1x16xf32>,
    }
    %scan3A_87 = arith.constant 42 : i32
    %dma_wait3A_88 = arith.constant 0 : i32
    %dma_wait3A_89 = arith.constant 0 : i32
    %dma_wait3A_90 = arith.constant 0 : i32
    %dma_wait3A_91 = tpu.memref_slice %arg6[%dma_wait3A_88, %dma_wait3A_89, %dma_wait3A_90] : memref<3x200x128xf32, #tpu.memory_space<vmem>> -> memref<1x200x128xf32, #tpu.memory_space<vmem>>
    %dma_wait3A_92 = tpu.memref_squeeze %dma_wait3A_91 : memref<1x200x128xf32, #tpu.memory_space<vmem>> -> memref<200x128xf32, #tpu.memory_space<vmem>>
    %dma_wait3A_93 = arith.constant 0 : i32
    %dma_wait3A_94 = arith.constant 0 : i32
    %dma_wait3A_95 = tpu.memref_slice %arg3[%dma_wait3A_93, %dma_wait3A_94] : memref<100000x128xf32, #tpu.memory_space<hbm>> -> memref<200x128xf32, #tpu.memory_space<hbm>>
    %dma_wait3A_96 = arith.constant 0 : i32
    %dma_wait3A_97 = arith.constant 0 : i32
    %dma_wait3A_98 = tpu.memref_slice %arg6[%dma_wait3A_88, %dma_wait3A_96, %dma_wait3A_97] : memref<3x200x128xf32, #tpu.memory_space<vmem>> -> memref<1x200x128xf32, #tpu.memory_space<vmem>>
    %dma_wait3A_99 = tpu.memref_squeeze %dma_wait3A_98 : memref<1x200x128xf32, #tpu.memory_space<vmem>> -> memref<200x128xf32, #tpu.memory_space<vmem>>
    %dma_wait3A_100 = arith.constant 0 : i32
    %dma_wait3A_101 = arith.constant 0 : i32
    %dma_wait3A_102 = tpu.memref_slice %arg3[%dma_wait3A_100, %dma_wait3A_101] : memref<100000x128xf32, #tpu.memory_space<hbm>> -> memref<200x128xf32, #tpu.memory_space<hbm>>
    tpu.wait_dma2 semaphore(%arg8 : memref<!tpu.dma_semaphore, #tpu.memory_space<semaphore_mem>>) src(%dma_wait3A_102 : memref<200x128xf32, #tpu.memory_space<hbm>>) dst(%dma_wait3A_99 : memref<200x128xf32, #tpu.memory_space<vmem>>)
    %broadcast_in_dim3A = arith.constant 0.000000e+00 : f32
    %broadcast_in_dim3A_103 = vector.broadcast %broadcast_in_dim3A : f32 to vector<16xf32>
    %broadcast_in_dim3A_104 = arith.constant 0.000000e+00 : f32
    %broadcast_in_dim3A_105 = vector.broadcast %broadcast_in_dim3A_104 : f32 to vector<16xf32>
    %broadcast_in_dim3A_106 = arith.constant 0.000000e+00 : f32
    %broadcast_in_dim3A_107 = vector.broadcast %broadcast_in_dim3A_106 : f32 to vector<16xf32>
    %broadcast_in_dim3A_108 = arith.constant 0.000000e+00 : f32
    %broadcast_in_dim3A_109 = vector.broadcast %broadcast_in_dim3A_108 : f32 to vector<16xf32>
    %broadcast_in_dim3A_110 = arith.constant 0.000000e+00 : f32
    %broadcast_in_dim3A_111 = vector.broadcast %broadcast_in_dim3A_110 : f32 to vector<16xf32>
    %broadcast_in_dim3A_112 = arith.constant 0.000000e+00 : f32
    %broadcast_in_dim3A_113 = vector.broadcast %broadcast_in_dim3A_112 : f32 to vector<16xf32>
    %broadcast_in_dim3A_114 = arith.constant 0.000000e+00 : f32
    %broadcast_in_dim3A_115 = vector.broadcast %broadcast_in_dim3A_114 : f32 to vector<16xf32>
    %broadcast_in_dim3A_116 = arith.constant 0.000000e+00 : f32
    %broadcast_in_dim3A_117 = vector.broadcast %broadcast_in_dim3A_116 : f32 to vector<16xf32>
    %broadcast_in_dim3A_118 = arith.constant 0.000000e+00 : f32
    %broadcast_in_dim3A_119 = vector.broadcast %broadcast_in_dim3A_118 : f32 to vector<16xf32>
    %broadcast_in_dim3A_120 = arith.constant 0.000000e+00 : f32
    %broadcast_in_dim3A_121 = vector.broadcast %broadcast_in_dim3A_120 : f32 to vector<16xf32>
    %broadcast_in_dim3A_122 = arith.constant 0.000000e+00 : f32
    %broadcast_in_dim3A_123 = vector.broadcast %broadcast_in_dim3A_122 : f32 to vector<16xf32>
    %broadcast_in_dim3A_124 = arith.constant 0.000000e+00 : f32
    %broadcast_in_dim3A_125 = vector.broadcast %broadcast_in_dim3A_124 : f32 to vector<16xf32>
    %broadcast_in_dim3A_126 = arith.constant 0.000000e+00 : f32
    %broadcast_in_dim3A_127 = vector.broadcast %broadcast_in_dim3A_126 : f32 to vector<16xf32>
    %broadcast_in_dim3A_128 = arith.constant 0.000000e+00 : f32
    %broadcast_in_dim3A_129 = vector.broadcast %broadcast_in_dim3A_128 : f32 to vector<16xf32>
    %broadcast_in_dim3A_130 = arith.constant 0.000000e+00 : f32
    %broadcast_in_dim3A_131 = vector.broadcast %broadcast_in_dim3A_130 : f32 to vector<16xf32>
    %broadcast_in_dim3A_132 = arith.constant 0.000000e+00 : f32
    %broadcast_in_dim3A_133 = vector.broadcast %broadcast_in_dim3A_132 : f32 to vector<16xf32>
    %scan3A_134 = arith.constant 0 : i32
    %scan3A_135 = arith.constant 100 : i32
    %scan3A_136 = arith.addi %scan3A_134, %scan3A_135 : i32
    %scan3A_137 = arith.constant 1 : i32
    %scan3A_138:16 = scf.for %scan3A_352 = %scan3A_134 to %scan3A_136 step %scan3A_137 iter_args(%scan3A_353 = %broadcast_in_dim3A_103, %scan3A_354 = %broadcast_in_dim3A_105, %scan3A_355 = %broadcast_in_dim3A_107, %scan3A_356 = %broadcast_in_dim3A_109, %scan3A_357 = %broadcast_in_dim3A_111, %scan3A_358 = %broadcast_in_dim3A_113, %scan3A_359 = %broadcast_in_dim3A_115, %scan3A_360 = %broadcast_in_dim3A_117, %scan3A_361 = %broadcast_in_dim3A_119, %scan3A_362 = %broadcast_in_dim3A_121, %scan3A_363 = %broadcast_in_dim3A_123, %scan3A_364 = %broadcast_in_dim3A_125, %scan3A_365 = %broadcast_in_dim3A_127, %scan3A_366 = %broadcast_in_dim3A_129, %scan3A_367 = %broadcast_in_dim3A_131, %scan3A_368 = %broadcast_in_dim3A_133) -> (vector<16xf32>, vector<16xf32>, vector<16xf32>, vector<16xf32>, vector<16xf32>, vector<16xf32>, vector<16xf32>, vector<16xf32>, vector<16xf32>, vector<16xf32>, vector<16xf32>, vector<16xf32>, vector<16xf32>, vector<16xf32>, vector<16xf32>, vector<16xf32>)  : i32 {
      %add3A_369 = arith.constant 0 : i32
      %add3A_370 = arith.addi %add3A_369, %scan3A_352 : i32
      %get3A = arith.constant 0 : i32
      %get3A_371 = arith.index_cast %get3A : i32 to index
      %get3A_372 = arith.index_cast %add3A_370 : i32 to index
      %get3A_373 = arith.constant 0 : index
      %get3A_374 = tpu.vector_load %arg6[%get3A_371, %get3A_372, %get3A_373] {strides = array<i32>} : memref<3x200x128xf32, #tpu.memory_space<vmem>>, vector<1x1x16xf32>,
      %get3A_375 = vector.shape_cast %get3A_374 : vector<1x1x16xf32> to vector<16xf32>
      %add3A_376 = arith.addf %scan3A_353, %get3A_375 : vector<16xf32>
      %add3A_377 = arith.constant 0 : i32
      %add3A_378 = arith.addi %add3A_377, %scan3A_352 : i32
      %get3A_379 = arith.constant 0 : i32
      %get3A_380 = arith.index_cast %get3A_379 : i32 to index
      %get3A_381 = arith.index_cast %add3A_378 : i32 to index
      %get3A_382 = arith.constant 16 : index
      %get3A_383 = tpu.vector_load %arg6[%get3A_380, %get3A_381, %get3A_382] {strides = array<i32>} : memref<3x200x128xf32, #tpu.memory_space<vmem>>, vector<1x1x16xf32>,
      %get3A_384 = vector.shape_cast %get3A_383 : vector<1x1x16xf32> to vector<16xf32>
      %add3A_385 = arith.addf %scan3A_354, %get3A_384 : vector<16xf32>
      %add3A_386 = arith.constant 0 : i32
      %add3A_387 = arith.addi %add3A_386, %scan3A_352 : i32
      %get3A_388 = arith.constant 0 : i32
      %get3A_389 = arith.index_cast %get3A_388 : i32 to index
      %get3A_390 = arith.index_cast %add3A_387 : i32 to index
      %get3A_391 = arith.constant 32 : index
      %get3A_392 = tpu.vector_load %arg6[%get3A_389, %get3A_390, %get3A_391] {strides = array<i32>} : memref<3x200x128xf32, #tpu.memory_space<vmem>>, vector<1x1x16xf32>,
      %get3A_393 = vector.shape_cast %get3A_392 : vector<1x1x16xf32> to vector<16xf32>
      %add3A_394 = arith.addf %scan3A_355, %get3A_393 : vector<16xf32>
      %add3A_395 = arith.constant 0 : i32
      %add3A_396 = arith.addi %add3A_395, %scan3A_352 : i32
      %get3A_397 = arith.constant 0 : i32
      %get3A_398 = arith.index_cast %get3A_397 : i32 to index
      %get3A_399 = arith.index_cast %add3A_396 : i32 to index
      %get3A_400 = arith.constant 48 : index
      %get3A_401 = tpu.vector_load %arg6[%get3A_398, %get3A_399, %get3A_400] {strides = array<i32>} : memref<3x200x128xf32, #tpu.memory_space<vmem>>, vector<1x1x16xf32>,
      %get3A_402 = vector.shape_cast %get3A_401 : vector<1x1x16xf32> to vector<16xf32>
      %add3A_403 = arith.addf %scan3A_356, %get3A_402 : vector<16xf32>
      %add3A_404 = arith.constant 0 : i32
      %add3A_405 = arith.addi %add3A_404, %scan3A_352 : i32
      %get3A_406 = arith.constant 0 : i32
      %get3A_407 = arith.index_cast %get3A_406 : i32 to index
      %get3A_408 = arith.index_cast %add3A_405 : i32 to index
      %get3A_409 = arith.constant 64 : index
      %get3A_410 = tpu.vector_load %arg6[%get3A_407, %get3A_408, %get3A_409] {strides = array<i32>} : memref<3x200x128xf32, #tpu.memory_space<vmem>>, vector<1x1x16xf32>,
      %get3A_411 = vector.shape_cast %get3A_410 : vector<1x1x16xf32> to vector<16xf32>
      %add3A_412 = arith.addf %scan3A_357, %get3A_411 : vector<16xf32>
      %add3A_413 = arith.constant 0 : i32
      %add3A_414 = arith.addi %add3A_413, %scan3A_352 : i32
      %get3A_415 = arith.constant 0 : i32
      %get3A_416 = arith.index_cast %get3A_415 : i32 to index
      %get3A_417 = arith.index_cast %add3A_414 : i32 to index
      %get3A_418 = arith.constant 80 : index
      %get3A_419 = tpu.vector_load %arg6[%get3A_416, %get3A_417, %get3A_418] {strides = array<i32>} : memref<3x200x128xf32, #tpu.memory_space<vmem>>, vector<1x1x16xf32>,
      %get3A_420 = vector.shape_cast %get3A_419 : vector<1x1x16xf32> to vector<16xf32>
      %add3A_421 = arith.addf %scan3A_358, %get3A_420 : vector<16xf32>
      %add3A_422 = arith.constant 0 : i32
      %add3A_423 = arith.addi %add3A_422, %scan3A_352 : i32
      %get3A_424 = arith.constant 0 : i32
      %get3A_425 = arith.index_cast %get3A_424 : i32 to index
      %get3A_426 = arith.index_cast %add3A_423 : i32 to index
      %get3A_427 = arith.constant 96 : index
      %get3A_428 = tpu.vector_load %arg6[%get3A_425, %get3A_426, %get3A_427] {strides = array<i32>} : memref<3x200x128xf32, #tpu.memory_space<vmem>>, vector<1x1x16xf32>,
      %get3A_429 = vector.shape_cast %get3A_428 : vector<1x1x16xf32> to vector<16xf32>
      %add3A_430 = arith.addf %scan3A_359, %get3A_429 : vector<16xf32>
      %add3A_431 = arith.constant 0 : i32
      %add3A_432 = arith.addi %add3A_431, %scan3A_352 : i32
      %get3A_433 = arith.constant 0 : i32
      %get3A_434 = arith.index_cast %get3A_433 : i32 to index
      %get3A_435 = arith.index_cast %add3A_432 : i32 to index
      %get3A_436 = arith.constant 112 : index
      %get3A_437 = tpu.vector_load %arg6[%get3A_434, %get3A_435, %get3A_436] {strides = array<i32>} : memref<3x200x128xf32, #tpu.memory_space<vmem>>, vector<1x1x16xf32>,
      %get3A_438 = vector.shape_cast %get3A_437 : vector<1x1x16xf32> to vector<16xf32>
      %add3A_439 = arith.addf %scan3A_360, %get3A_438 : vector<16xf32>
      %add3A_440 = arith.constant 100 : i32
      %add3A_441 = arith.addi %add3A_440, %scan3A_352 : i32
      %get3A_442 = arith.constant 0 : i32
      %get3A_443 = arith.index_cast %get3A_442 : i32 to index
      %get3A_444 = arith.index_cast %add3A_441 : i32 to index
      %get3A_445 = arith.constant 0 : index
      %get3A_446 = tpu.vector_load %arg6[%get3A_443, %get3A_444, %get3A_445] {strides = array<i32>} : memref<3x200x128xf32, #tpu.memory_space<vmem>>, vector<1x1x16xf32>,
      %get3A_447 = vector.shape_cast %get3A_446 : vector<1x1x16xf32> to vector<16xf32>
      %add3A_448 = arith.addf %scan3A_361, %get3A_447 : vector<16xf32>
      %add3A_449 = arith.constant 100 : i32
      %add3A_450 = arith.addi %add3A_449, %scan3A_352 : i32
      %get3A_451 = arith.constant 0 : i32
      %get3A_452 = arith.index_cast %get3A_451 : i32 to index
      %get3A_453 = arith.index_cast %add3A_450 : i32 to index
      %get3A_454 = arith.constant 16 : index
      %get3A_455 = tpu.vector_load %arg6[%get3A_452, %get3A_453, %get3A_454] {strides = array<i32>} : memref<3x200x128xf32, #tpu.memory_space<vmem>>, vector<1x1x16xf32>,
      %get3A_456 = vector.shape_cast %get3A_455 : vector<1x1x16xf32> to vector<16xf32>
      %add3A_457 = arith.addf %scan3A_362, %get3A_456 : vector<16xf32>
      %add3A_458 = arith.constant 100 : i32
      %add3A_459 = arith.addi %add3A_458, %scan3A_352 : i32
      %get3A_460 = arith.constant 0 : i32
      %get3A_461 = arith.index_cast %get3A_460 : i32 to index
      %get3A_462 = arith.index_cast %add3A_459 : i32 to index
      %get3A_463 = arith.constant 32 : index
      %get3A_464 = tpu.vector_load %arg6[%get3A_461, %get3A_462, %get3A_463] {strides = array<i32>} : memref<3x200x128xf32, #tpu.memory_space<vmem>>, vector<1x1x16xf32>,
      %get3A_465 = vector.shape_cast %get3A_464 : vector<1x1x16xf32> to vector<16xf32>
      %add3A_466 = arith.addf %scan3A_363, %get3A_465 : vector<16xf32>
      %add3A_467 = arith.constant 100 : i32
      %add3A_468 = arith.addi %add3A_467, %scan3A_352 : i32
      %get3A_469 = arith.constant 0 : i32
      %get3A_470 = arith.index_cast %get3A_469 : i32 to index
      %get3A_471 = arith.index_cast %add3A_468 : i32 to index
      %get3A_472 = arith.constant 48 : index
      %get3A_473 = tpu.vector_load %arg6[%get3A_470, %get3A_471, %get3A_472] {strides = array<i32>} : memref<3x200x128xf32, #tpu.memory_space<vmem>>, vector<1x1x16xf32>,
      %get3A_474 = vector.shape_cast %get3A_473 : vector<1x1x16xf32> to vector<16xf32>
      %add3A_475 = arith.addf %scan3A_364, %get3A_474 : vector<16xf32>
      %add3A_476 = arith.constant 100 : i32
      %add3A_477 = arith.addi %add3A_476, %scan3A_352 : i32
      %get3A_478 = arith.constant 0 : i32
      %get3A_479 = arith.index_cast %get3A_478 : i32 to index
      %get3A_480 = arith.index_cast %add3A_477 : i32 to index
      %get3A_481 = arith.constant 64 : index
      %get3A_482 = tpu.vector_load %arg6[%get3A_479, %get3A_480, %get3A_481] {strides = array<i32>} : memref<3x200x128xf32, #tpu.memory_space<vmem>>, vector<1x1x16xf32>,
      %get3A_483 = vector.shape_cast %get3A_482 : vector<1x1x16xf32> to vector<16xf32>
      %add3A_484 = arith.addf %scan3A_365, %get3A_483 : vector<16xf32>
      %add3A_485 = arith.constant 100 : i32
      %add3A_486 = arith.addi %add3A_485, %scan3A_352 : i32
      %get3A_487 = arith.constant 0 : i32
      %get3A_488 = arith.index_cast %get3A_487 : i32 to index
      %get3A_489 = arith.index_cast %add3A_486 : i32 to index
      %get3A_490 = arith.constant 80 : index
      %get3A_491 = tpu.vector_load %arg6[%get3A_488, %get3A_489, %get3A_490] {strides = array<i32>} : memref<3x200x128xf32, #tpu.memory_space<vmem>>, vector<1x1x16xf32>,
      %get3A_492 = vector.shape_cast %get3A_491 : vector<1x1x16xf32> to vector<16xf32>
      %add3A_493 = arith.addf %scan3A_366, %get3A_492 : vector<16xf32>
      %add3A_494 = arith.constant 100 : i32
      %add3A_495 = arith.addi %add3A_494, %scan3A_352 : i32
      %get3A_496 = arith.constant 0 : i32
      %get3A_497 = arith.index_cast %get3A_496 : i32 to index
      %get3A_498 = arith.index_cast %add3A_495 : i32 to index
      %get3A_499 = arith.constant 96 : index
      %get3A_500 = tpu.vector_load %arg6[%get3A_497, %get3A_498, %get3A_499] {strides = array<i32>} : memref<3x200x128xf32, #tpu.memory_space<vmem>>, vector<1x1x16xf32>,
      %get3A_501 = vector.shape_cast %get3A_500 : vector<1x1x16xf32> to vector<16xf32>
      %add3A_502 = arith.addf %scan3A_367, %get3A_501 : vector<16xf32>
      %add3A_503 = arith.constant 100 : i32
      %add3A_504 = arith.addi %add3A_503, %scan3A_352 : i32
      %get3A_505 = arith.constant 0 : i32
      %get3A_506 = arith.index_cast %get3A_505 : i32 to index
      %get3A_507 = arith.index_cast %add3A_504 : i32 to index
      %get3A_508 = arith.constant 112 : index
      %get3A_509 = tpu.vector_load %arg6[%get3A_506, %get3A_507, %get3A_508] {strides = array<i32>} : memref<3x200x128xf32, #tpu.memory_space<vmem>>, vector<1x1x16xf32>,
      %get3A_510 = vector.shape_cast %get3A_509 : vector<1x1x16xf32> to vector<16xf32>
      %add3A_511 = arith.addf %scan3A_368, %get3A_510 : vector<16xf32>
      scf.yield %add3A_376, %add3A_385, %add3A_394, %add3A_403, %add3A_412, %add3A_421, %add3A_430, %add3A_439, %add3A_448, %add3A_457, %add3A_466, %add3A_475, %add3A_484, %add3A_493, %add3A_502, %add3A_511 : vector<16xf32>, vector<16xf32>, vector<16xf32>, vector<16xf32>, vector<16xf32>, vector<16xf32>, vector<16xf32>, vector<16xf32>, vector<16xf32>, vector<16xf32>, vector<16xf32>, vector<16xf32>, vector<16xf32>, vector<16xf32>, vector<16xf32>, vector<16xf32>
    }
    %scan3A_139 = arith.constant 100 : i32
    %add3A_140 = arith.addf %scan3A_138#0, %scan3A_138#8 : vector<16xf32>
    %mul3A_141 = arith.constant 5.000000e-03 : f32
    %mul3A_142 = vector.broadcast %mul3A_141 : f32 to vector<16xf32>
    %mul3A_143 = arith.mulf %add3A_140, %mul3A_142 : vector<16xf32>
    %swap3A = arith.constant 126 : i32
    %swap3A_144 = arith.index_cast %swap3A : i32 to index
    %swap3A_145 = arith.constant 0 : index
    %swap3A_146 = tpu.vector_load %arg7[%swap3A_144, %swap3A_145] {strides = array<i32>} : memref<128x128xf32, #tpu.memory_space<vmem>>, vector<1x16xf32>,
    %swap3A_147 = vector.shape_cast %swap3A_146 : vector<1x16xf32> to vector<16xf32>
    %swap3A_148 = vector.shape_cast %mul3A_143 : vector<16xf32> to vector<1x16xf32>
    tpu.vector_store %arg7[%swap3A_144, %swap3A_145], %swap3A_148 {strides = array<i32>} : memref<128x128xf32, #tpu.memory_space<vmem>>, vector<1x16xf32>,
    %add3A_149 = arith.addf %scan3A_138#1, %scan3A_138#9 : vector<16xf32>
    %mul3A_150 = arith.constant 5.000000e-03 : f32
    %mul3A_151 = vector.broadcast %mul3A_150 : f32 to vector<16xf32>
    %mul3A_152 = arith.mulf %add3A_149, %mul3A_151 : vector<16xf32>
    %swap3A_153 = arith.constant 126 : i32
    %swap3A_154 = arith.index_cast %swap3A_153 : i32 to index
    %swap3A_155 = arith.constant 16 : index
    %swap3A_156 = tpu.vector_load %arg7[%swap3A_154, %swap3A_155] {strides = array<i32>} : memref<128x128xf32, #tpu.memory_space<vmem>>, vector<1x16xf32>,
    %swap3A_157 = vector.shape_cast %swap3A_156 : vector<1x16xf32> to vector<16xf32>
    %swap3A_158 = vector.shape_cast %mul3A_152 : vector<16xf32> to vector<1x16xf32>
    tpu.vector_store %arg7[%swap3A_154, %swap3A_155], %swap3A_158 {strides = array<i32>} : memref<128x128xf32, #tpu.memory_space<vmem>>, vector<1x16xf32>,
    %add3A_159 = arith.addf %scan3A_138#2, %scan3A_138#10 : vector<16xf32>
    %mul3A_160 = arith.constant 5.000000e-03 : f32
    %mul3A_161 = vector.broadcast %mul3A_160 : f32 to vector<16xf32>
    %mul3A_162 = arith.mulf %add3A_159, %mul3A_161 : vector<16xf32>
    %swap3A_163 = arith.constant 126 : i32
    %swap3A_164 = arith.index_cast %swap3A_163 : i32 to index
    %swap3A_165 = arith.constant 32 : index
    %swap3A_166 = tpu.vector_load %arg7[%swap3A_164, %swap3A_165] {strides = array<i32>} : memref<128x128xf32, #tpu.memory_space<vmem>>, vector<1x16xf32>,
    %swap3A_167 = vector.shape_cast %swap3A_166 : vector<1x16xf32> to vector<16xf32>
    %swap3A_168 = vector.shape_cast %mul3A_162 : vector<16xf32> to vector<1x16xf32>
    tpu.vector_store %arg7[%swap3A_164, %swap3A_165], %swap3A_168 {strides = array<i32>} : memref<128x128xf32, #tpu.memory_space<vmem>>, vector<1x16xf32>,
    %add3A_169 = arith.addf %scan3A_138#3, %scan3A_138#11 : vector<16xf32>
    %mul3A_170 = arith.constant 5.000000e-03 : f32
    %mul3A_171 = vector.broadcast %mul3A_170 : f32 to vector<16xf32>
    %mul3A_172 = arith.mulf %add3A_169, %mul3A_171 : vector<16xf32>
    %swap3A_173 = arith.constant 126 : i32
    %swap3A_174 = arith.index_cast %swap3A_173 : i32 to index
    %swap3A_175 = arith.constant 48 : index
    %swap3A_176 = tpu.vector_load %arg7[%swap3A_174, %swap3A_175] {strides = array<i32>} : memref<128x128xf32, #tpu.memory_space<vmem>>, vector<1x16xf32>,
    %swap3A_177 = vector.shape_cast %swap3A_176 : vector<1x16xf32> to vector<16xf32>
    %swap3A_178 = vector.shape_cast %mul3A_172 : vector<16xf32> to vector<1x16xf32>
    tpu.vector_store %arg7[%swap3A_174, %swap3A_175], %swap3A_178 {strides = array<i32>} : memref<128x128xf32, #tpu.memory_space<vmem>>, vector<1x16xf32>,
    %add3A_179 = arith.addf %scan3A_138#4, %scan3A_138#12 : vector<16xf32>
    %mul3A_180 = arith.constant 5.000000e-03 : f32
    %mul3A_181 = vector.broadcast %mul3A_180 : f32 to vector<16xf32>
    %mul3A_182 = arith.mulf %add3A_179, %mul3A_181 : vector<16xf32>
    %swap3A_183 = arith.constant 126 : i32
    %swap3A_184 = arith.index_cast %swap3A_183 : i32 to index
    %swap3A_185 = arith.constant 64 : index
    %swap3A_186 = tpu.vector_load %arg7[%swap3A_184, %swap3A_185] {strides = array<i32>} : memref<128x128xf32, #tpu.memory_space<vmem>>, vector<1x16xf32>,
    %swap3A_187 = vector.shape_cast %swap3A_186 : vector<1x16xf32> to vector<16xf32>
    %swap3A_188 = vector.shape_cast %mul3A_182 : vector<16xf32> to vector<1x16xf32>
    tpu.vector_store %arg7[%swap3A_184, %swap3A_185], %swap3A_188 {strides = array<i32>} : memref<128x128xf32, #tpu.memory_space<vmem>>, vector<1x16xf32>,
    %add3A_189 = arith.addf %scan3A_138#5, %scan3A_138#13 : vector<16xf32>
    %mul3A_190 = arith.constant 5.000000e-03 : f32
    %mul3A_191 = vector.broadcast %mul3A_190 : f32 to vector<16xf32>
    %mul3A_192 = arith.mulf %add3A_189, %mul3A_191 : vector<16xf32>
    %swap3A_193 = arith.constant 126 : i32
    %swap3A_194 = arith.index_cast %swap3A_193 : i32 to index
    %swap3A_195 = arith.constant 80 : index
    %swap3A_196 = tpu.vector_load %arg7[%swap3A_194, %swap3A_195] {strides = array<i32>} : memref<128x128xf32, #tpu.memory_space<vmem>>, vector<1x16xf32>,
    %swap3A_197 = vector.shape_cast %swap3A_196 : vector<1x16xf32> to vector<16xf32>
    %swap3A_198 = vector.shape_cast %mul3A_192 : vector<16xf32> to vector<1x16xf32>
    tpu.vector_store %arg7[%swap3A_194, %swap3A_195], %swap3A_198 {strides = array<i32>} : memref<128x128xf32, #tpu.memory_space<vmem>>, vector<1x16xf32>,
    %add3A_199 = arith.addf %scan3A_138#6, %scan3A_138#14 : vector<16xf32>
    %mul3A_200 = arith.constant 5.000000e-03 : f32
    %mul3A_201 = vector.broadcast %mul3A_200 : f32 to vector<16xf32>
    %mul3A_202 = arith.mulf %add3A_199, %mul3A_201 : vector<16xf32>
    %swap3A_203 = arith.constant 126 : i32
    %swap3A_204 = arith.index_cast %swap3A_203 : i32 to index
    %swap3A_205 = arith.constant 96 : index
    %swap3A_206 = tpu.vector_load %arg7[%swap3A_204, %swap3A_205] {strides = array<i32>} : memref<128x128xf32, #tpu.memory_space<vmem>>, vector<1x16xf32>,
    %swap3A_207 = vector.shape_cast %swap3A_206 : vector<1x16xf32> to vector<16xf32>
    %swap3A_208 = vector.shape_cast %mul3A_202 : vector<16xf32> to vector<1x16xf32>
    tpu.vector_store %arg7[%swap3A_204, %swap3A_205], %swap3A_208 {strides = array<i32>} : memref<128x128xf32, #tpu.memory_space<vmem>>, vector<1x16xf32>,
    %add3A_209 = arith.addf %scan3A_138#7, %scan3A_138#15 : vector<16xf32>
    %mul3A_210 = arith.constant 5.000000e-03 : f32
    %mul3A_211 = vector.broadcast %mul3A_210 : f32 to vector<16xf32>
    %mul3A_212 = arith.mulf %add3A_209, %mul3A_211 : vector<16xf32>
    %swap3A_213 = arith.constant 126 : i32
    %swap3A_214 = arith.index_cast %swap3A_213 : i32 to index
    %swap3A_215 = arith.constant 112 : index
    %swap3A_216 = tpu.vector_load %arg7[%swap3A_214, %swap3A_215] {strides = array<i32>} : memref<128x128xf32, #tpu.memory_space<vmem>>, vector<1x16xf32>,
    %swap3A_217 = vector.shape_cast %swap3A_216 : vector<1x16xf32> to vector<16xf32>
    %swap3A_218 = vector.shape_cast %mul3A_212 : vector<16xf32> to vector<1x16xf32>
    tpu.vector_store %arg7[%swap3A_214, %swap3A_215], %swap3A_218 {strides = array<i32>} : memref<128x128xf32, #tpu.memory_space<vmem>>, vector<1x16xf32>,
    %dma_wait3A_219 = arith.constant 1 : i32
    %dma_wait3A_220 = arith.constant 0 : i32
    %dma_wait3A_221 = arith.constant 0 : i32
    %dma_wait3A_222 = tpu.memref_slice %arg6[%dma_wait3A_219, %dma_wait3A_220, %dma_wait3A_221] : memref<3x200x128xf32, #tpu.memory_space<vmem>> -> memref<1x200x128xf32, #tpu.memory_space<vmem>>
    %dma_wait3A_223 = tpu.memref_squeeze %dma_wait3A_222 : memref<1x200x128xf32, #tpu.memory_space<vmem>> -> memref<200x128xf32, #tpu.memory_space<vmem>>
    %dma_wait3A_224 = arith.constant 0 : i32
    %dma_wait3A_225 = arith.constant 0 : i32
    %dma_wait3A_226 = tpu.memref_slice %arg3[%dma_wait3A_224, %dma_wait3A_225] : memref<100000x128xf32, #tpu.memory_space<hbm>> -> memref<200x128xf32, #tpu.memory_space<hbm>>
    %dma_wait3A_227 = arith.constant 0 : i32
    %dma_wait3A_228 = arith.constant 0 : i32
    %dma_wait3A_229 = tpu.memref_slice %arg6[%dma_wait3A_219, %dma_wait3A_227, %dma_wait3A_228] : memref<3x200x128xf32, #tpu.memory_space<vmem>> -> memref<1x200x128xf32, #tpu.memory_space<vmem>>
    %dma_wait3A_230 = tpu.memref_squeeze %dma_wait3A_229 : memref<1x200x128xf32, #tpu.memory_space<vmem>> -> memref<200x128xf32, #tpu.memory_space<vmem>>
    %dma_wait3A_231 = arith.constant 0 : i32
    %dma_wait3A_232 = arith.constant 0 : i32
    %dma_wait3A_233 = tpu.memref_slice %arg3[%dma_wait3A_231, %dma_wait3A_232] : memref<100000x128xf32, #tpu.memory_space<hbm>> -> memref<200x128xf32, #tpu.memory_space<hbm>>
    tpu.wait_dma2 semaphore(%arg9 : memref<!tpu.dma_semaphore, #tpu.memory_space<semaphore_mem>>) src(%dma_wait3A_233 : memref<200x128xf32, #tpu.memory_space<hbm>>) dst(%dma_wait3A_230 : memref<200x128xf32, #tpu.memory_space<vmem>>)
    %broadcast_in_dim3A_234 = arith.constant 0.000000e+00 : f32
    %broadcast_in_dim3A_235 = vector.broadcast %broadcast_in_dim3A_234 : f32 to vector<16xf32>
    %broadcast_in_dim3A_236 = arith.constant 0.000000e+00 : f32
    %broadcast_in_dim3A_237 = vector.broadcast %broadcast_in_dim3A_236 : f32 to vector<16xf32>
    %broadcast_in_dim3A_238 = arith.constant 0.000000e+00 : f32
    %broadcast_in_dim3A_239 = vector.broadcast %broadcast_in_dim3A_238 : f32 to vector<16xf32>
    %broadcast_in_dim3A_240 = arith.constant 0.000000e+00 : f32
    %broadcast_in_dim3A_241 = vector.broadcast %broadcast_in_dim3A_240 : f32 to vector<16xf32>
    %broadcast_in_dim3A_242 = arith.constant 0.000000e+00 : f32
    %broadcast_in_dim3A_243 = vector.broadcast %broadcast_in_dim3A_242 : f32 to vector<16xf32>
    %broadcast_in_dim3A_244 = arith.constant 0.000000e+00 : f32
    %broadcast_in_dim3A_245 = vector.broadcast %broadcast_in_dim3A_244 : f32 to vector<16xf32>
    %broadcast_in_dim3A_246 = arith.constant 0.000000e+00 : f32
    %broadcast_in_dim3A_247 = vector.broadcast %broadcast_in_dim3A_246 : f32 to vector<16xf32>
    %broadcast_in_dim3A_248 = arith.constant 0.000000e+00 : f32
    %broadcast_in_dim3A_249 = vector.broadcast %broadcast_in_dim3A_248 : f32 to vector<16xf32>
    %broadcast_in_dim3A_250 = arith.constant 0.000000e+00 : f32
    %broadcast_in_dim3A_251 = vector.broadcast %broadcast_in_dim3A_250 : f32 to vector<16xf32>
    %broadcast_in_dim3A_252 = arith.constant 0.000000e+00 : f32
    %broadcast_in_dim3A_253 = vector.broadcast %broadcast_in_dim3A_252 : f32 to vector<16xf32>
    %broadcast_in_dim3A_254 = arith.constant 0.000000e+00 : f32
    %broadcast_in_dim3A_255 = vector.broadcast %broadcast_in_dim3A_254 : f32 to vector<16xf32>
    %broadcast_in_dim3A_256 = arith.constant 0.000000e+00 : f32
    %broadcast_in_dim3A_257 = vector.broadcast %broadcast_in_dim3A_256 : f32 to vector<16xf32>
    %broadcast_in_dim3A_258 = arith.constant 0.000000e+00 : f32
    %broadcast_in_dim3A_259 = vector.broadcast %broadcast_in_dim3A_258 : f32 to vector<16xf32>
    %broadcast_in_dim3A_260 = arith.constant 0.000000e+00 : f32
    %broadcast_in_dim3A_261 = vector.broadcast %broadcast_in_dim3A_260 : f32 to vector<16xf32>
    %broadcast_in_dim3A_262 = arith.constant 0.000000e+00 : f32
    %broadcast_in_dim3A_263 = vector.broadcast %broadcast_in_dim3A_262 : f32 to vector<16xf32>
    %broadcast_in_dim3A_264 = arith.constant 0.000000e+00 : f32
    %broadcast_in_dim3A_265 = vector.broadcast %broadcast_in_dim3A_264 : f32 to vector<16xf32>
    %scan3A_266 = arith.constant 0 : i32
    %scan3A_267 = arith.constant 100 : i32
    %scan3A_268 = arith.addi %scan3A_266, %scan3A_267 : i32
    %scan3A_269 = arith.constant 1 : i32
    %scan3A_270:16 = scf.for %scan3A_352 = %scan3A_266 to %scan3A_268 step %scan3A_269 iter_args(%scan3A_353 = %broadcast_in_dim3A_235, %scan3A_354 = %broadcast_in_dim3A_237, %scan3A_355 = %broadcast_in_dim3A_239, %scan3A_356 = %broadcast_in_dim3A_241, %scan3A_357 = %broadcast_in_dim3A_243, %scan3A_358 = %broadcast_in_dim3A_245, %scan3A_359 = %broadcast_in_dim3A_247, %scan3A_360 = %broadcast_in_dim3A_249, %scan3A_361 = %broadcast_in_dim3A_251, %scan3A_362 = %broadcast_in_dim3A_253, %scan3A_363 = %broadcast_in_dim3A_255, %scan3A_364 = %broadcast_in_dim3A_257, %scan3A_365 = %broadcast_in_dim3A_259, %scan3A_366 = %broadcast_in_dim3A_261, %scan3A_367 = %broadcast_in_dim3A_263, %scan3A_368 = %broadcast_in_dim3A_265) -> (vector<16xf32>, vector<16xf32>, vector<16xf32>, vector<16xf32>, vector<16xf32>, vector<16xf32>, vector<16xf32>, vector<16xf32>, vector<16xf32>, vector<16xf32>, vector<16xf32>, vector<16xf32>, vector<16xf32>, vector<16xf32>, vector<16xf32>, vector<16xf32>)  : i32 {
      %add3A_369 = arith.constant 0 : i32
      %add3A_370 = arith.addi %add3A_369, %scan3A_352 : i32
      %get3A = arith.constant 1 : i32
      %get3A_371 = arith.index_cast %get3A : i32 to index
      %get3A_372 = arith.index_cast %add3A_370 : i32 to index
      %get3A_373 = arith.constant 0 : index
      %get3A_374 = tpu.vector_load %arg6[%get3A_371, %get3A_372, %get3A_373] {strides = array<i32>} : memref<3x200x128xf32, #tpu.memory_space<vmem>>, vector<1x1x16xf32>,
      %get3A_375 = vector.shape_cast %get3A_374 : vector<1x1x16xf32> to vector<16xf32>
      %add3A_376 = arith.addf %scan3A_353, %get3A_375 : vector<16xf32>
      %add3A_377 = arith.constant 0 : i32
      %add3A_378 = arith.addi %add3A_377, %scan3A_352 : i32
      %get3A_379 = arith.constant 1 : i32
      %get3A_380 = arith.index_cast %get3A_379 : i32 to index
      %get3A_381 = arith.index_cast %add3A_378 : i32 to index
      %get3A_382 = arith.constant 16 : index
      %get3A_383 = tpu.vector_load %arg6[%get3A_380, %get3A_381, %get3A_382] {strides = array<i32>} : memref<3x200x128xf32, #tpu.memory_space<vmem>>, vector<1x1x16xf32>,
      %get3A_384 = vector.shape_cast %get3A_383 : vector<1x1x16xf32> to vector<16xf32>
      %add3A_385 = arith.addf %scan3A_354, %get3A_384 : vector<16xf32>
      %add3A_386 = arith.constant 0 : i32
      %add3A_387 = arith.addi %add3A_386, %scan3A_352 : i32
      %get3A_388 = arith.constant 1 : i32
      %get3A_389 = arith.index_cast %get3A_388 : i32 to index
      %get3A_390 = arith.index_cast %add3A_387 : i32 to index
      %get3A_391 = arith.constant 32 : index
      %get3A_392 = tpu.vector_load %arg6[%get3A_389, %get3A_390, %get3A_391] {strides = array<i32>} : memref<3x200x128xf32, #tpu.memory_space<vmem>>, vector<1x1x16xf32>,
      %get3A_393 = vector.shape_cast %get3A_392 : vector<1x1x16xf32> to vector<16xf32>
      %add3A_394 = arith.addf %scan3A_355, %get3A_393 : vector<16xf32>
      %add3A_395 = arith.constant 0 : i32
      %add3A_396 = arith.addi %add3A_395, %scan3A_352 : i32
      %get3A_397 = arith.constant 1 : i32
      %get3A_398 = arith.index_cast %get3A_397 : i32 to index
      %get3A_399 = arith.index_cast %add3A_396 : i32 to index
      %get3A_400 = arith.constant 48 : index
      %get3A_401 = tpu.vector_load %arg6[%get3A_398, %get3A_399, %get3A_400] {strides = array<i32>} : memref<3x200x128xf32, #tpu.memory_space<vmem>>, vector<1x1x16xf32>,
      %get3A_402 = vector.shape_cast %get3A_401 : vector<1x1x16xf32> to vector<16xf32>
      %add3A_403 = arith.addf %scan3A_356, %get3A_402 : vector<16xf32>
      %add3A_404 = arith.constant 0 : i32
      %add3A_405 = arith.addi %add3A_404, %scan3A_352 : i32
      %get3A_406 = arith.constant 1 : i32
      %get3A_407 = arith.index_cast %get3A_406 : i32 to index
      %get3A_408 = arith.index_cast %add3A_405 : i32 to index
      %get3A_409 = arith.constant 64 : index
      %get3A_410 = tpu.vector_load %arg6[%get3A_407, %get3A_408, %get3A_409] {strides = array<i32>} : memref<3x200x128xf32, #tpu.memory_space<vmem>>, vector<1x1x16xf32>,
      %get3A_411 = vector.shape_cast %get3A_410 : vector<1x1x16xf32> to vector<16xf32>
      %add3A_412 = arith.addf %scan3A_357, %get3A_411 : vector<16xf32>
      %add3A_413 = arith.constant 0 : i32
      %add3A_414 = arith.addi %add3A_413, %scan3A_352 : i32
      %get3A_415 = arith.constant 1 : i32
      %get3A_416 = arith.index_cast %get3A_415 : i32 to index
      %get3A_417 = arith.index_cast %add3A_414 : i32 to index
      %get3A_418 = arith.constant 80 : index
      %get3A_419 = tpu.vector_load %arg6[%get3A_416, %get3A_417, %get3A_418] {strides = array<i32>} : memref<3x200x128xf32, #tpu.memory_space<vmem>>, vector<1x1x16xf32>,
      %get3A_420 = vector.shape_cast %get3A_419 : vector<1x1x16xf32> to vector<16xf32>
      %add3A_421 = arith.addf %scan3A_358, %get3A_420 : vector<16xf32>
      %add3A_422 = arith.constant 0 : i32
      %add3A_423 = arith.addi %add3A_422, %scan3A_352 : i32
      %get3A_424 = arith.constant 1 : i32
      %get3A_425 = arith.index_cast %get3A_424 : i32 to index
      %get3A_426 = arith.index_cast %add3A_423 : i32 to index
      %get3A_427 = arith.constant 96 : index
      %get3A_428 = tpu.vector_load %arg6[%get3A_425, %get3A_426, %get3A_427] {strides = array<i32>} : memref<3x200x128xf32, #tpu.memory_space<vmem>>, vector<1x1x16xf32>,
      %get3A_429 = vector.shape_cast %get3A_428 : vector<1x1x16xf32> to vector<16xf32>
      %add3A_430 = arith.addf %scan3A_359, %get3A_429 : vector<16xf32>
      %add3A_431 = arith.constant 0 : i32
      %add3A_432 = arith.addi %add3A_431, %scan3A_352 : i32
      %get3A_433 = arith.constant 1 : i32
      %get3A_434 = arith.index_cast %get3A_433 : i32 to index
      %get3A_435 = arith.index_cast %add3A_432 : i32 to index
      %get3A_436 = arith.constant 112 : index
      %get3A_437 = tpu.vector_load %arg6[%get3A_434, %get3A_435, %get3A_436] {strides = array<i32>} : memref<3x200x128xf32, #tpu.memory_space<vmem>>, vector<1x1x16xf32>,
      %get3A_438 = vector.shape_cast %get3A_437 : vector<1x1x16xf32> to vector<16xf32>
      %add3A_439 = arith.addf %scan3A_360, %get3A_438 : vector<16xf32>
      %add3A_440 = arith.constant 100 : i32
      %add3A_441 = arith.addi %add3A_440, %scan3A_352 : i32
      %get3A_442 = arith.constant 1 : i32
      %get3A_443 = arith.index_cast %get3A_442 : i32 to index
      %get3A_444 = arith.index_cast %add3A_441 : i32 to index
      %get3A_445 = arith.constant 0 : index
      %get3A_446 = tpu.vector_load %arg6[%get3A_443, %get3A_444, %get3A_445] {strides = array<i32>} : memref<3x200x128xf32, #tpu.memory_space<vmem>>, vector<1x1x16xf32>,
      %get3A_447 = vector.shape_cast %get3A_446 : vector<1x1x16xf32> to vector<16xf32>
      %add3A_448 = arith.addf %scan3A_361, %get3A_447 : vector<16xf32>
      %add3A_449 = arith.constant 100 : i32
      %add3A_450 = arith.addi %add3A_449, %scan3A_352 : i32
      %get3A_451 = arith.constant 1 : i32
      %get3A_452 = arith.index_cast %get3A_451 : i32 to index
      %get3A_453 = arith.index_cast %add3A_450 : i32 to index
      %get3A_454 = arith.constant 16 : index
      %get3A_455 = tpu.vector_load %arg6[%get3A_452, %get3A_453, %get3A_454] {strides = array<i32>} : memref<3x200x128xf32, #tpu.memory_space<vmem>>, vector<1x1x16xf32>,
      %get3A_456 = vector.shape_cast %get3A_455 : vector<1x1x16xf32> to vector<16xf32>
      %add3A_457 = arith.addf %scan3A_362, %get3A_456 : vector<16xf32>
      %add3A_458 = arith.constant 100 : i32
      %add3A_459 = arith.addi %add3A_458, %scan3A_352 : i32
      %get3A_460 = arith.constant 1 : i32
      %get3A_461 = arith.index_cast %get3A_460 : i32 to index
      %get3A_462 = arith.index_cast %add3A_459 : i32 to index
      %get3A_463 = arith.constant 32 : index
      %get3A_464 = tpu.vector_load %arg6[%get3A_461, %get3A_462, %get3A_463] {strides = array<i32>} : memref<3x200x128xf32, #tpu.memory_space<vmem>>, vector<1x1x16xf32>,
      %get3A_465 = vector.shape_cast %get3A_464 : vector<1x1x16xf32> to vector<16xf32>
      %add3A_466 = arith.addf %scan3A_363, %get3A_465 : vector<16xf32>
      %add3A_467 = arith.constant 100 : i32
      %add3A_468 = arith.addi %add3A_467, %scan3A_352 : i32
      %get3A_469 = arith.constant 1 : i32
      %get3A_470 = arith.index_cast %get3A_469 : i32 to index
      %get3A_471 = arith.index_cast %add3A_468 : i32 to index
      %get3A_472 = arith.constant 48 : index
      %get3A_473 = tpu.vector_load %arg6[%get3A_470, %get3A_471, %get3A_472] {strides = array<i32>} : memref<3x200x128xf32, #tpu.memory_space<vmem>>, vector<1x1x16xf32>,
      %get3A_474 = vector.shape_cast %get3A_473 : vector<1x1x16xf32> to vector<16xf32>
      %add3A_475 = arith.addf %scan3A_364, %get3A_474 : vector<16xf32>
      %add3A_476 = arith.constant 100 : i32
      %add3A_477 = arith.addi %add3A_476, %scan3A_352 : i32
      %get3A_478 = arith.constant 1 : i32
      %get3A_479 = arith.index_cast %get3A_478 : i32 to index
      %get3A_480 = arith.index_cast %add3A_477 : i32 to index
      %get3A_481 = arith.constant 64 : index
      %get3A_482 = tpu.vector_load %arg6[%get3A_479, %get3A_480, %get3A_481] {strides = array<i32>} : memref<3x200x128xf32, #tpu.memory_space<vmem>>, vector<1x1x16xf32>,
      %get3A_483 = vector.shape_cast %get3A_482 : vector<1x1x16xf32> to vector<16xf32>
      %add3A_484 = arith.addf %scan3A_365, %get3A_483 : vector<16xf32>
      %add3A_485 = arith.constant 100 : i32
      %add3A_486 = arith.addi %add3A_485, %scan3A_352 : i32
      %get3A_487 = arith.constant 1 : i32
      %get3A_488 = arith.index_cast %get3A_487 : i32 to index
      %get3A_489 = arith.index_cast %add3A_486 : i32 to index
      %get3A_490 = arith.constant 80 : index
      %get3A_491 = tpu.vector_load %arg6[%get3A_488, %get3A_489, %get3A_490] {strides = array<i32>} : memref<3x200x128xf32, #tpu.memory_space<vmem>>, vector<1x1x16xf32>,
      %get3A_492 = vector.shape_cast %get3A_491 : vector<1x1x16xf32> to vector<16xf32>
      %add3A_493 = arith.addf %scan3A_366, %get3A_492 : vector<16xf32>
      %add3A_494 = arith.constant 100 : i32
      %add3A_495 = arith.addi %add3A_494, %scan3A_352 : i32
      %get3A_496 = arith.constant 1 : i32
      %get3A_497 = arith.index_cast %get3A_496 : i32 to index
      %get3A_498 = arith.index_cast %add3A_495 : i32 to index
      %get3A_499 = arith.constant 96 : index
      %get3A_500 = tpu.vector_load %arg6[%get3A_497, %get3A_498, %get3A_499] {strides = array<i32>} : memref<3x200x128xf32, #tpu.memory_space<vmem>>, vector<1x1x16xf32>,
      %get3A_501 = vector.shape_cast %get3A_500 : vector<1x1x16xf32> to vector<16xf32>
      %add3A_502 = arith.addf %scan3A_367, %get3A_501 : vector<16xf32>
      %add3A_503 = arith.constant 100 : i32
      %add3A_504 = arith.addi %add3A_503, %scan3A_352 : i32
      %get3A_505 = arith.constant 1 : i32
      %get3A_506 = arith.index_cast %get3A_505 : i32 to index
      %get3A_507 = arith.index_cast %add3A_504 : i32 to index
      %get3A_508 = arith.constant 112 : index
      %get3A_509 = tpu.vector_load %arg6[%get3A_506, %get3A_507, %get3A_508] {strides = array<i32>} : memref<3x200x128xf32, #tpu.memory_space<vmem>>, vector<1x1x16xf32>,
      %get3A_510 = vector.shape_cast %get3A_509 : vector<1x1x16xf32> to vector<16xf32>
      %add3A_511 = arith.addf %scan3A_368, %get3A_510 : vector<16xf32>
      scf.yield %add3A_376, %add3A_385, %add3A_394, %add3A_403, %add3A_412, %add3A_421, %add3A_430, %add3A_439, %add3A_448, %add3A_457, %add3A_466, %add3A_475, %add3A_484, %add3A_493, %add3A_502, %add3A_511 : vector<16xf32>, vector<16xf32>, vector<16xf32>, vector<16xf32>, vector<16xf32>, vector<16xf32>, vector<16xf32>, vector<16xf32>, vector<16xf32>, vector<16xf32>, vector<16xf32>, vector<16xf32>, vector<16xf32>, vector<16xf32>, vector<16xf32>, vector<16xf32>
    }
    %scan3A_271 = arith.constant 100 : i32
    %add3A_272 = arith.addf %scan3A_270#0, %scan3A_270#8 : vector<16xf32>
    %mul3A_273 = arith.constant 5.000000e-03 : f32
    %mul3A_274 = vector.broadcast %mul3A_273 : f32 to vector<16xf32>
    %mul3A_275 = arith.mulf %add3A_272, %mul3A_274 : vector<16xf32>
    %swap3A_276 = arith.constant 127 : i32
    %swap3A_277 = arith.index_cast %swap3A_276 : i32 to index
    %swap3A_278 = arith.constant 0 : index
    %swap3A_279 = tpu.vector_load %arg7[%swap3A_277, %swap3A_278] {strides = array<i32>} : memref<128x128xf32, #tpu.memory_space<vmem>>, vector<1x16xf32>,
    %swap3A_280 = vector.shape_cast %swap3A_279 : vector<1x16xf32> to vector<16xf32>
    %swap3A_281 = vector.shape_cast %mul3A_275 : vector<16xf32> to vector<1x16xf32>
    tpu.vector_store %arg7[%swap3A_277, %swap3A_278], %swap3A_281 {strides = array<i32>} : memref<128x128xf32, #tpu.memory_space<vmem>>, vector<1x16xf32>,
    %add3A_282 = arith.addf %scan3A_270#1, %scan3A_270#9 : vector<16xf32>
    %mul3A_283 = arith.constant 5.000000e-03 : f32
    %mul3A_284 = vector.broadcast %mul3A_283 : f32 to vector<16xf32>
    %mul3A_285 = arith.mulf %add3A_282, %mul3A_284 : vector<16xf32>
    %swap3A_286 = arith.constant 127 : i32
    %swap3A_287 = arith.index_cast %swap3A_286 : i32 to index
    %swap3A_288 = arith.constant 16 : index
    %swap3A_289 = tpu.vector_load %arg7[%swap3A_287, %swap3A_288] {strides = array<i32>} : memref<128x128xf32, #tpu.memory_space<vmem>>, vector<1x16xf32>,
    %swap3A_290 = vector.shape_cast %swap3A_289 : vector<1x16xf32> to vector<16xf32>
    %swap3A_291 = vector.shape_cast %mul3A_285 : vector<16xf32> to vector<1x16xf32>
    tpu.vector_store %arg7[%swap3A_287, %swap3A_288], %swap3A_291 {strides = array<i32>} : memref<128x128xf32, #tpu.memory_space<vmem>>, vector<1x16xf32>,
    %add3A_292 = arith.addf %scan3A_270#2, %scan3A_270#10 : vector<16xf32>
    %mul3A_293 = arith.constant 5.000000e-03 : f32
    %mul3A_294 = vector.broadcast %mul3A_293 : f32 to vector<16xf32>
    %mul3A_295 = arith.mulf %add3A_292, %mul3A_294 : vector<16xf32>
    %swap3A_296 = arith.constant 127 : i32
    %swap3A_297 = arith.index_cast %swap3A_296 : i32 to index
    %swap3A_298 = arith.constant 32 : index
    %swap3A_299 = tpu.vector_load %arg7[%swap3A_297, %swap3A_298] {strides = array<i32>} : memref<128x128xf32, #tpu.memory_space<vmem>>, vector<1x16xf32>,
    %swap3A_300 = vector.shape_cast %swap3A_299 : vector<1x16xf32> to vector<16xf32>
    %swap3A_301 = vector.shape_cast %mul3A_295 : vector<16xf32> to vector<1x16xf32>
    tpu.vector_store %arg7[%swap3A_297, %swap3A_298], %swap3A_301 {strides = array<i32>} : memref<128x128xf32, #tpu.memory_space<vmem>>, vector<1x16xf32>,
    %add3A_302 = arith.addf %scan3A_270#3, %scan3A_270#11 : vector<16xf32>
    %mul3A_303 = arith.constant 5.000000e-03 : f32
    %mul3A_304 = vector.broadcast %mul3A_303 : f32 to vector<16xf32>
    %mul3A_305 = arith.mulf %add3A_302, %mul3A_304 : vector<16xf32>
    %swap3A_306 = arith.constant 127 : i32
    %swap3A_307 = arith.index_cast %swap3A_306 : i32 to index
    %swap3A_308 = arith.constant 48 : index
    %swap3A_309 = tpu.vector_load %arg7[%swap3A_307, %swap3A_308] {strides = array<i32>} : memref<128x128xf32, #tpu.memory_space<vmem>>, vector<1x16xf32>,
    %swap3A_310 = vector.shape_cast %swap3A_309 : vector<1x16xf32> to vector<16xf32>
    %swap3A_311 = vector.shape_cast %mul3A_305 : vector<16xf32> to vector<1x16xf32>
    tpu.vector_store %arg7[%swap3A_307, %swap3A_308], %swap3A_311 {strides = array<i32>} : memref<128x128xf32, #tpu.memory_space<vmem>>, vector<1x16xf32>,
    %add3A_312 = arith.addf %scan3A_270#4, %scan3A_270#12 : vector<16xf32>
    %mul3A_313 = arith.constant 5.000000e-03 : f32
    %mul3A_314 = vector.broadcast %mul3A_313 : f32 to vector<16xf32>
    %mul3A_315 = arith.mulf %add3A_312, %mul3A_314 : vector<16xf32>
    %swap3A_316 = arith.constant 127 : i32
    %swap3A_317 = arith.index_cast %swap3A_316 : i32 to index
    %swap3A_318 = arith.constant 64 : index
    %swap3A_319 = tpu.vector_load %arg7[%swap3A_317, %swap3A_318] {strides = array<i32>} : memref<128x128xf32, #tpu.memory_space<vmem>>, vector<1x16xf32>,
    %swap3A_320 = vector.shape_cast %swap3A_319 : vector<1x16xf32> to vector<16xf32>
    %swap3A_321 = vector.shape_cast %mul3A_315 : vector<16xf32> to vector<1x16xf32>
    tpu.vector_store %arg7[%swap3A_317, %swap3A_318], %swap3A_321 {strides = array<i32>} : memref<128x128xf32, #tpu.memory_space<vmem>>, vector<1x16xf32>,
    %add3A_322 = arith.addf %scan3A_270#5, %scan3A_270#13 : vector<16xf32>
    %mul3A_323 = arith.constant 5.000000e-03 : f32
    %mul3A_324 = vector.broadcast %mul3A_323 : f32 to vector<16xf32>
    %mul3A_325 = arith.mulf %add3A_322, %mul3A_324 : vector<16xf32>
    %swap3A_326 = arith.constant 127 : i32
    %swap3A_327 = arith.index_cast %swap3A_326 : i32 to index
    %swap3A_328 = arith.constant 80 : index
    %swap3A_329 = tpu.vector_load %arg7[%swap3A_327, %swap3A_328] {strides = array<i32>} : memref<128x128xf32, #tpu.memory_space<vmem>>, vector<1x16xf32>,
    %swap3A_330 = vector.shape_cast %swap3A_329 : vector<1x16xf32> to vector<16xf32>
    %swap3A_331 = vector.shape_cast %mul3A_325 : vector<16xf32> to vector<1x16xf32>
    tpu.vector_store %arg7[%swap3A_327, %swap3A_328], %swap3A_331 {strides = array<i32>} : memref<128x128xf32, #tpu.memory_space<vmem>>, vector<1x16xf32>,
    %add3A_332 = arith.addf %scan3A_270#6, %scan3A_270#14 : vector<16xf32>
    %mul3A_333 = arith.constant 5.000000e-03 : f32
    %mul3A_334 = vector.broadcast %mul3A_333 : f32 to vector<16xf32>
    %mul3A_335 = arith.mulf %add3A_332, %mul3A_334 : vector<16xf32>
    %swap3A_336 = arith.constant 127 : i32
    %swap3A_337 = arith.index_cast %swap3A_336 : i32 to index
    %swap3A_338 = arith.constant 96 : index
    %swap3A_339 = tpu.vector_load %arg7[%swap3A_337, %swap3A_338] {strides = array<i32>} : memref<128x128xf32, #tpu.memory_space<vmem>>, vector<1x16xf32>,
    %swap3A_340 = vector.shape_cast %swap3A_339 : vector<1x16xf32> to vector<16xf32>
    %swap3A_341 = vector.shape_cast %mul3A_335 : vector<16xf32> to vector<1x16xf32>
    tpu.vector_store %arg7[%swap3A_337, %swap3A_338], %swap3A_341 {strides = array<i32>} : memref<128x128xf32, #tpu.memory_space<vmem>>, vector<1x16xf32>,
    %add3A_342 = arith.addf %scan3A_270#7, %scan3A_270#15 : vector<16xf32>
    %mul3A_343 = arith.constant 5.000000e-03 : f32
    %mul3A_344 = vector.broadcast %mul3A_343 : f32 to vector<16xf32>
    %mul3A_345 = arith.mulf %add3A_342, %mul3A_344 : vector<16xf32>
    %swap3A_346 = arith.constant 127 : i32
    %swap3A_347 = arith.index_cast %swap3A_346 : i32 to index
    %swap3A_348 = arith.constant 112 : index
    %swap3A_349 = tpu.vector_load %arg7[%swap3A_347, %swap3A_348] {strides = array<i32>} : memref<128x128xf32, #tpu.memory_space<vmem>>, vector<1x16xf32>,
    %swap3A_350 = vector.shape_cast %swap3A_349 : vector<1x16xf32> to vector<16xf32>
    %swap3A_351 = vector.shape_cast %mul3A_345 : vector<16xf32> to vector<1x16xf32>
    tpu.vector_store %arg7[%swap3A_347, %swap3A_348], %swap3A_351 {strides = array<i32>} : memref<128x128xf32, #tpu.memory_space<vmem>>, vector<1x16xf32>,
    "tpu.region"() ({
      %run_scoped3A = tpu.sem_alloc : memref<!tpu.dma_semaphore, #tpu.memory_space<semaphore_mem>>
      %dma_start3A_352 = arith.constant 0 : i32
      %dma_start3A_353 = tpu.memref_slice %arg4[%mul3A_2, %dma_start3A_352] : memref<4096x128xf32, #tpu.memory_space<hbm>> -> memref<128x128xf32, #tpu.memory_space<hbm>>
      %dma_start3A_354 = arith.constant 0 : i32
      %dma_start3A_355 = tpu.memref_slice %arg4[%mul3A_2, %dma_start3A_354] : memref<4096x128xf32, #tpu.memory_space<hbm>> -> memref<128x128xf32, #tpu.memory_space<hbm>>
      tpu.enqueue_dma source(%arg7 : memref<128x128xf32, #tpu.memory_space<vmem>>) target(%dma_start3A_355 : memref<128x128xf32, #tpu.memory_space<hbm>>) target_semaphore(%run_scoped3A : memref<!tpu.dma_semaphore, #tpu.memory_space<semaphore_mem>>)
      %dma_wait3A_356 = arith.constant 0 : i32
      %dma_wait3A_357 = tpu.memref_slice %arg4[%mul3A_2, %dma_wait3A_356] : memref<4096x128xf32, #tpu.memory_space<hbm>> -> memref<128x128xf32, #tpu.memory_space<hbm>>
      %dma_wait3A_358 = arith.constant 0 : i32
      %dma_wait3A_359 = tpu.memref_slice %arg4[%mul3A_2, %dma_wait3A_358] : memref<4096x128xf32, #tpu.memory_space<hbm>> -> memref<128x128xf32, #tpu.memory_space<hbm>>
      tpu.wait_dma2 semaphore(%run_scoped3A : memref<!tpu.dma_semaphore, #tpu.memory_space<semaphore_mem>>) src(%arg7 : memref<128x128xf32, #tpu.memory_space<vmem>>) dst(%dma_wait3A_359 : memref<128x128xf32, #tpu.memory_space<hbm>>)
      tpu.yield
    }) : () -> ()
    return
  }
}

</mosaic_0001>

<sc_bundles>
// kernel: kernel.3.cloned.1.call-start
scs
__scs_entry_jumppad:
0x0: {  	(pc) =	sbr.rel $0x88, $3  }
0x1: {  	(tag) =	ssettag $0x0;
	lr =	simm.s32 $0x1  }
0x2: {  	[smem:$0x3F9F] =	sst lr;
	_ =	strace $0xD0000000  }
0x3: {  	_ = 	snop  }
0x4: {  	_ = 	snop  }
0x5: {  	_ = 	snop  }
0x6: {  	_ = 	snop  }
0x7: {  	_ = 	snop  }
__scs_overlays_trampoline_lowered:
0x8: {  	[smem:$0x3FAE] =	sst s0  }
0x9: {  	[smem:$0x3FAF] =	sst s1  }
0xa: {  	[smem:$0x3FB0] =	sst s2  }
0xb: {  	[smem:$0x3FB1] =	sst s3  }
0xc: {  	[smem:$0x3FB2] =	sst s4  }
0xd: {  	[smem:$0x3FB3] =	sst s5  }
0xe: {  	[smem:$0x3FB4] =	sst s6  }
0xf: {  	[smem:$0x3FB5] =	sst s7  }
0x10: {  	[smem:$0x3FB6] =	sst s8  }
0x11: {  	[smem:$0x3FB7] =	sst s9;
	s0 =	simm.s32 @!p0 $0x0  }
0x12: {  	s1 =	sld [smem:$0x3F9D];
	s0 =	simm.s32 @p0 $0x1  }
0x13: {  	[smem:$0x3FB8] =	sst s0;
	s0 =	simm.s32 @!p1 $0x0  }
0x14: {  	s2 =	sld [smem:$0x3F9C];
	s0 =	simm.s32 @p1 $0x1  }
0x15: {  	[smem:$0x3FB9] =	sst s0;
	s0 =	simm.s32 @!p2 $0x0  }
0x16: {  	s3 =	sld [smem:$0x3FDB];
	s0 =	simm.s32 @p2 $0x1  }
0x17: {  	s4 =	simm.s32 $0x1BF5;
	[smem:$0x3FBB] =	sst s0  }
0x18: {  	s0 =	sld [smem:$0x3F9E];
	_ =	swait.ge [sflag:s4], $0x0  }
0x19: {  	s7 =	sld [smem:$0x3F9F]  }
0x1a: {  	s8 =	sadd.s32 $0xFFFFE003, lr  }
0x1b: {  	s9 =	sadd.s32 $0xFFFFFEF7, lr;
	s5 =	simm.s32 $0xFFFFFFFF;
	p2 =	slt.u32 s8, $0xFFFFF086  }
0x1c: {  	p1 =	slt.u32 s9, $0xF7A;
	s5 =	simm.s32 @!p2 $0x0  }
0x1d: {  	s5 =	simm.s32 @p1 $0x1;
	p0 =	seq.s32 s7, s2  }
0x1e: {  	s7 =	smul.u32 @!p0 $0xF7A, s2;
	p2 =	seq.s32 @!p0 s5, $0x0  }
0x1f: {  	s9 =	smul.u32 $0xF7A, s1;
	s8 =	simm.s32 @!p0 $0x1BF5;
	p2 =	por !p2, p0  }
0x20: {  	[sflag:s8] =	ssyncset.s32 @!p0 $0xFFFFF086;
	s6 =	sadd.s32 @!p0 s3, s7;
	s7 =	simm.s32 @!p0 $0x108  }
0x21: {  	s3 =	sadd.s32 s3, s9;
	s6 =	sadd.s32 @!p0 $0x88, s6;
	s7 =	simm.s32 @p2 $0x1082  }
0x22: {  	[simem:s7], [sflag:s8] =	dma.local @!p0 [hbm:s6], $0xF7A  }
0x23: {  	s9 =	sor.u32 $0xD0000000, s2;
	s6 =	simm.s32 $0x108;
	_ =	swait.ge @!p0 [sflag:s8], $0x0  }
0x24: {  	s3 =	sadd.s32 $0x88, s3;
	s6 =	simm.s32 @!p1 $0x1082;
	[sflag:s4] =	ssyncset.s32 $0xFFFFF086  }
0x25: {  	[simem:s6], [sflag:s4] =	dma.local [hbm:s3], $0xF7A  }
0x26: {  	[smem:$0x3F9F] =	sst s1;
	(tag) =	ssettag s2;
	_ =	strace s9  }
0x27: {  	s1 =	sld [smem:$0x3FAF]  }
0x28: {  	s2 =	sld [smem:$0x3FB0]  }
0x29: {  	s4 =	sld [smem:$0x3FB2]  }
0x2a: {  	p0 =	seq.s32 s5, $0x0;
	s5 =	sld [smem:$0x3FB3]  }
0x2b: {  	s6 =	sld [smem:$0x3FB4]  }
0x2c: {  	s7 =	sld [smem:$0x3FB5]  }
0x2d: {  	s3 =	simm.s32 $0x108;
	s8 =	sld [smem:$0x3FB6]  }
0x2e: {  	s3 =	simm.s32 @!p0 $0x1082;
	s9 =	sld [smem:$0x3FB7]  }
0x2f: {  	lr =	sadd.s32 s0, s3;
	s0 =	sld [smem:$0x3FAE]  }
0x30: {  	s3 =	sld [smem:$0x3FB1]  }
0x31: {  	[smem:$0x3FBA] =	sst s10  }
0x32: {  	s10 =	sld [smem:$0x3FB8];
	_ =	sdelay $0x3  }
0x33: {  	p0 =	seq.s32 s10, $0x1;
	s10 =	sld [smem:$0x3FBA];
	_ =	sdelay $0x3  }
0x34: {  	[smem:$0x3FBA] =	sst s10  }
0x35: {  	s10 =	sld [smem:$0x3FB9];
	_ =	sdelay $0x3  }
0x36: {  	p1 =	seq.s32 s10, $0x1;
	s10 =	sld [smem:$0x3FBA];
	_ =	sdelay $0x3  }
0x37: {  	[smem:$0x3FBA] =	sst s10  }
0x38: {  	s10 =	sld [smem:$0x3FBB]  }
0x39: {  	_ = 	snop;
	(pc) =	sbr.ind lr, $3  }
0x3a: {  	_ = 	snop  }
0x3b: {  	_ = 	snop  }
0x3c: {  	p2 =	seq.s32 s10, $0x1;
	s10 =	sld [smem:$0x3FBA]  }
0x3d: {  	_ =	shalt  }
0x3e: {  	_ =	shalt  }
0x3f: {  	_ =	shalt  }
0x40: {  	_ =	shalt  }
0x41: {  	_ =	shalt  }
0x42: {  	_ =	shalt  }
0x43: {  	_ =	shalt  }
0x44: {  	_ =	shalt  }
0x45: {  	_ =	shalt  }
0x46: {  	_ =	shalt  }
0x47: {  	_ =	shalt  }
0x48: {  	_ =	shalt  }
0x49: {  	_ =	shalt  }
0x4a: {  	_ =	shalt  }
0x4b: {  	_ =	shalt  }
0x4c: {  	_ =	shalt  }
0x4d: {  	_ =	shalt  }
0x4e: {  	_ =	shalt  }
0x4f: {  	_ =	shalt  }
0x50: {  	_ =	shalt  }
0x51: {  	_ =	shalt  }
0x52: {  	_ =	shalt  }
0x53: {  	_ =	shalt  }
0x54: {  	_ =	shalt  }
0x55: {  	_ =	shalt  }
0x56: {  	_ =	shalt  }
0x57: {  	_ =	shalt  }
0x58: {  	_ =	shalt  }
0x59: {  	_ =	shalt  }
0x5a: {  	_ =	shalt  }
0x5b: {  	_ =	shalt  }
0x5c: {  	_ =	shalt  }
0x5d: {  	_ =	shalt  }
0x5e: {  	_ =	shalt  }
0x5f: {  	_ =	shalt  }
0x60: {  	_ =	shalt  }
0x61: {  	_ =	shalt  }
0x62: {  	_ =	shalt  }
0x63: {  	_ =	shalt  }
0x64: {  	_ =	shalt  }
0x65: {  	_ =	shalt  }
0x66: {  	_ =	shalt  }
0x67: {  	_ =	shalt  }
0x68: {  	_ =	shalt  }
0x69: {  	_ =	shalt  }
0x6a: {  	_ =	shalt  }
0x6b: {  	_ =	shalt  }
0x6c: {  	_ =	shalt  }
0x6d: {  	_ =	shalt  }
0x6e: {  	_ =	shalt  }
0x6f: {  	_ =	shalt  }
0x70: {  	_ =	shalt  }
0x71: {  	_ =	shalt  }
0x72: {  	_ =	shalt  }
0x73: {  	_ =	shalt  }
0x74: {  	_ =	shalt  }
0x75: {  	_ =	shalt  }
0x76: {  	_ =	shalt  }
0x77: {  	_ =	shalt  }
0x78: {  	_ =	shalt  }
0x79: {  	_ =	shalt  }
0x7a: {  	_ =	shalt  }
0x7b: {  	_ =	shalt  }
0x7c: {  	_ =	shalt  }
0x7d: {  	_ =	shalt  }
0x7e: {  	_ =	shalt  }
0x7f: {  	_ =	shalt  }
0x80: {  	_ =	shalt  }
0x81: {  	_ =	shalt  }
0x82: {  	_ =	shalt  }
0x83: {  	_ =	shalt  }
0x84: {  	_ =	shalt  }
0x85: {  	_ =	shalt  }
0x86: {  	_ =	shalt  }
0x87: {  	_ =	shalt  }
.Lfunc_end0:
.L_simem_size_0:
called_computation_lowered:
.L_overlay_start_0:
0x88: {  	s2 =	sld [smem:$0x3FD9]  }
0x89: {  	s3 =	sld [smem:$0x3FFE];
	_ =	sdelay $0x1  }
0x8a: {  	s1 =	srdreg.scid  }
0x8b: {  	s0 =	sand.u32 $0x1, s1  }
0x8c: {  	s17 =	sshll.u32 s0, $0xA;
	s2 =	sadd.s32 s3, s2  }
0x8d: {  	s2 =	sadd.s32 s2, s17  }
0x8e: {  	[smem:$0x3FC6] =	sst s2  }
0x8f: {  	_ = 	snop  }
0x90: {  	s2 =	sld [smem:$0x3FC8]  }
0x91: {  	s18 =	sld [smem:$0x3FD0];
	(tm) =	ssettm $0x1  }
0x92: {  	s4 =	sld [smem:$0x3FFB];
	_ =	sdelay $0x3  }
0x93: {  	_ =	strace s4  }
0x94: {  	s4 =	sld [smem:$0x3FFC];
	_ =	sdelay $0x3  }
0x95: {  	_ =	strace s4  }
0x96: {  	s4 =	sld [smem:$0x3FFD];
	_ =	sdelay $0x3  }
0x97: {  	_ =	strace s4  }
0x98: {  	_ =	strace $0x8FFFFFFF  }
0x99: {  	s19 =	sld [smem:$0x3FDB];
	_ =	sdelay $0x1  }
0x9a: {  	s5 =	simm.s32 $_scs_section_size  }
0x9b: {  	s6 =	simm.s32 $_size__tile_overlayer_lowered;
	s7 =	simm.s32 $_tile_overlayer_lowered  }
0x9c: {  	s22 =	simm.s32 $0x1BFF;
	s21 =	sshll.u32 s7, $0x1;
	s4 =	sadd.s32 s5, s19  }
0x9d: {  	s8 =	simm.s32 $0x0;
	s20 =	sshll.u32 s6, $0x1;
	s6 =	sadd.s32 s21, s4  }
0x9e: {  	[timem:s8], [sflag:s22] =	dma.local [hbm:s6], s20  }
0x9f: {  	_ =	swait.ge [sflag:s22], s20  }
0xa0: {  	s5 =	ssub.s32 $0x0, s20;
	[sflag:s22] =	ssyncset.done $0x0  }
0xa1: {  	[sflag:s22] =	ssyncadd.s32 s5;
	_ =	sdelay $0x1  }
0xa2: {  	s23 =	simm.s32 $0x1B8B  }
0xa3: {  	_ =	swait.ge [sflag:s23], $0x1  }
0xa4: {  	[sflag:s23] =	ssyncset.done $0x0  }
0xa5: {  	s25 =	simm.s32 $0x1B8E;
	s24 =	sld [smem:$0x3FFE];
	[sflag:s23] =	ssyncadd.s32 $0xFFFFFFFF  }
0xa6: {  	s26 =	simm.s32 $execute0_lowered;
	[smem:$0x3FD2] =	sst s25  }
0xa7: {  	s6 =	sshll.u32 s26, $0x1;
	_ =	strace $0x80000046;
	[dreg:$0x1] =	wrdreg $0xFFFFFFFF  }
0xa8: {  	s28 =	simm.s32 $_size_execute0_lowered;
	s4 =	sadd.s32 s4, s6;
	[dreg:$0x0] =	wrdreg $0x0  }
0xa9: {  	s6 =	sshll.u32 s28, $0x1;
	[dreg:$0x2] =	wrdreg s4  }
0xaa: {  	[dreg:$0x3] =	wrdreg s6  }
0xab: {  	[dreg:$0x4] =	wrdreg $0xC0  }
0xac: {  	_ =	task [dreg:s8], $0x5FFFF  }
0xad: {  	[dreg:$0x1] =	wrdreg $0xFFFFFFFF  }
0xae: {  	[dreg:$0x0] =	wrdreg $0x60  }
0xaf: {  	[dreg:$0x2] =	wrdreg s24  }
0xb0: {  	[dreg:$0x3] =	wrdreg s2  }
0xb1: {  	[dreg:$0x4] =	wrdreg s18  }
0xb2: {  	[dreg:$0x5] =	wrdreg $0x9  }
0xb3: {  	_ =	task.clear_ibuf [dreg:s8], $0x6FFFF;
	_ =	strace $0x90000046  }
0xb4: {  	s29 =	simm.s32 $0x9;
	_ =	strace $0x80000048  }
0xb5: {  	_ =	swait.ge [sflag:s29], $0x1  }
0xb6: {  	[sflag:s29] =	ssyncadd.s32 $0xFFFFFFFF  }
0xb7: {  	_ =	strace $0x90000048  }
0xb8: {  	_ =	sfence  }
0xb9: {  	s30 =	sld [smem:$0x0];
	_ =	sdelay $0x2  }
0xba: {  	s31 =	sshll.u32 s1, $0xD;
	s1 =	sshrl.u32 s1, $0x2  }
0xbb: {  	s3 =	sand.u32 $0x4000, s31;
	s1 =	sadd.s32 s1, s30  }
0xbc: {  	s0 =	sor.u32 s3, s0;
	s1 =	sshll.u32 s1, $0x11  }
0xbd: {  	s0 =	sor.u32 s1, s0  }
0xbe: {  	s0 =	sadd.s32 $0x8F2B, s0  }
0xbf: {  	[sflag:s0] =	ssyncadd.remote.s32 $0x1  }
0xc0: {  	_ =	sfence.sel $0xFFFF  }
0xc1: {  	[dreg:$0x0] =	wrdreg $0xFFFFFFFF;
	(pc) =	sbr.abs _section_cstart, $3  }
0xc2: {  	[dreg:$0x1] =	wrdreg $0xFFFFFFFF  }
0xc3: {  	_ =	task.clear_ibuf [dreg:s8], $0x2FFFF;
	_ =	strace $0x9FFFFFFF  }
0xc4: {  	(tm) =	ssettm $0x7FFFFFFF  }
0xc5: {  	_ =	shalt  }
tec
execute0_lowered:
.L_overlay_start_1:
0x0: {  	(tag) =	ssettag $0x1  }
0x1: {  	s1 =	rddreg [dreg:$0x0];
	s3 =	srdreg.scid  }
0x2: {  	s2 =	rddreg [dreg:$0x1];
	s0 =	stileid.u32  }
0x3: {  	s6 =	rddreg [dreg:$0x2];
	s9 =	simm.s32 $0x200;
	s10 =	simm.s32 $0x64  }
0x4: {  	s11 =	simm.s32 $0x8000;
	s12 =	simm.s32 $0x80;
	s13 =	simm.s32 $0xB200  }
0x5: {  	s14 =	simm.s32 $0x100;
	s15 =	simm.s32 $0xE400;
	s16 =	simm.s32 $0x180  }
0x6: {  	s17 =	simm.s32 $0x11600;
	s18 =	simm.s32 $0x4;
	s19 =	simm.s32 $0x14800  }
0x7: {  	s20 =	simm.s32 $0x17A00;
	s21 =	simm.s32 $0x1;
	s22 =	simm.s32 $0x2  }
0x8: {  	s23 =	simm.s32 $0x3;
	s24 =	simm.s32 $0x1AC00;
	s4 =	sand.u32 $0x1, s3  }
0x9: {  	s5 =	sshll.u32 s0, $0x8;
	s3 =	simm.s32 $0x0;
	s7 =	sshll.u32 s4, $0x7  }
0xa: {  	s25 =	simm.s32 $0x0;
	[smem:$0x7FF] =	sst s3;
	s5 =	sor.u32 s7, s5  }
0xb: {  	s4 =	ssub.s32 $0x2, s4;
	_ =	strace $0x80000047;
	s7 =	sshll.u32 s5, $0x5  }
0xc: {  	s31 =	sshrl.u32 s4, $0x1;
	s8 =	sshll.u32 s5, $0x4;
	s1 =	sadd.s32 s7, s1  }
0xd: {  	s7 =	ssub.s32 s4, s31;
	s6 =	sadd.s32 s6, s8;
	s8 =	simm.s32 $0x5  }
0xe: {  	s4 =	sadd.s32 $0x400, s1;
	s5 =	sadd.s32 $0x440, s1;
	s7 =	smax.u32 s7, $0x1  }
.LBB2_1:
0xf: {  	[tilespmem:s3], [sflag:$0x5] =	stream.linear.gather [hbm4b:s4+s3], $0x200, $0x38;
	[tilespmem:$0x1EC00] =	vst v63  }
0x10: {  	_ =	swait.ge [sflag:s8], $0x200  }
0x11: {  	[sflag:s8] =	ssyncset.done $0x0  }
0x12: {  	[sflag:s8] =	ssyncadd.s32 $0xFFFFFE00  }
0x13: {  	[tilespmem:s9], [sflag:$0x4] =	stream.linear.gather [hbm4b:s5+s3], $0x7E00, $0x38;
	[tilespmem:$0x1EC00] =	vst v63  }
0x14: {  	_ = 	snop  }
0x15: {  	[tilespmem:s11], [sflag:$0x1] =	stream.indirect.gather [hbm4b:s2+s10], $0x80, s3, s10, $0xb8;
	[tilespmem:$0x1EC00] =	vst v63  }
0x16: {  	_ = 	snop  }
0x17: {  	[tilespmem:s13], [sflag:$0x1] =	stream.indirect.gather [hbm4b:s2+s10], $0x80, s12, s10, $0xb8;
	[tilespmem:$0x1EC00] =	vst v63  }
0x18: {  	_ = 	snop  }
0x19: {  	[tilespmem:s15], [sflag:$0x2] =	stream.indirect.gather [hbm4b:s2+s10], $0x80, s14, s10, $0xb8;
	[tilespmem:$0x1EC00] =	vst v63  }
0x1a: {  	_ = 	snop  }
0x1b: {  	[tilespmem:s17], [sflag:$0x2] =	stream.indirect.gather [hbm4b:s2+s10], $0x80, s16, s10, $0xb8;
	[tilespmem:$0x1EC00] =	vst v63  }
0x1c: {  	_ =	swait.ge [sflag:s18], $0x7E00  }
0x1d: {  	[sflag:s18] =	ssyncset.done $0x0  }
0x1e: {  	s26 =	simm.s32 $0x0;
	[sflag:s18] =	ssyncadd.s32 $0xFFFF8200  }
.LBB2_2:
0x1f: {  	s1 =	smul.u32 $0x3, s26;
	_ =	sdelay $0x1  }
0x20: {  	s28 =	sadd.s32 $0x2, s1  }
0x21: {  	s1 =	sshll.u32 s28, $0x8  }
0x22: {  	s1 =	sand.u32 $0x3FFFFF00, s1  }
0x23: {  	[tilespmem:s19], [sflag:$0x3] =	stream.indirect.gather [hbm4b:s2+s10], $0x80, s1, s10, $0xb8;
	[tilespmem:$0x1EC00] =	vst v63  }
0x24: {  	s1 =	sor.u32 $0x80, s1  }
0x25: {  	[tilespmem:s20], [sflag:$0x3] =	stream.indirect.gather [hbm4b:s2+s10], $0x80, s1, s10, $0xb8;
	[tilespmem:$0x1EC00] =	vst v63  }
0x26: {  	_ =	swait.ge [sflag:s21], $0x6400  }
0x27: {  	[sflag:s21] =	ssyncset.done $0x0  }
0x28: {  	s31 =	simm.s32 $0x40;
	[sflag:s21] =	ssyncadd.s32 $0xFFFF9C00  }
0x29: {  	v0 =	vld [tilespmem:s31+$0xB230]  }
0x2a: {  	v1 =	vld [tilespmem:s31+$0x7FC0]  }
0x2b: {  	v2 =	vld [tilespmem:s31+$0x7FD0]  }
0x2c: {  	v3 =	vld [tilespmem:s31+$0x7FE0]  }
0x2d: {  	v7 =	vld [tilespmem:s31+$0x7FF0]  }
0x2e: {  	v9 =	vld [tilespmem:s31+$0x8000]  }
0x2f: {  	v10 =	vld [tilespmem:s31+$0x8010]  }
0x30: {  	v12 =	vld [tilespmem:s31+$0x8020]  }
0x31: {  	v13 =	vld [tilespmem:s31+$0x8030]  }
0x32: {  	v11 =	vimm.f32 $0.0e+00;
	v14 =	vld [tilespmem:s31+$0xB1C0]  }
0x33: {  	v15 =	vld [tilespmem:s31+$0xB1D0];
	v4 =	vadd.f32 v0, v11  }
0x34: {  	v8 =	vadd.f32 v1, v11;
	v5 =	vadd.f32 v2, v11  }
0x35: {  	v16 =	vld [tilespmem:s31+$0xB1E0];
	v6 =	vadd.f32 v3, v11;
	v2 =	vadd.f32 v7, v11  }
0x36: {  	v17 =	vld [tilespmem:s31+$0xB1F0];
	v7 =	vadd.f32 v9, v11;
	v3 =	vadd.f32 v10, v11  }
0x37: {  	v18 =	vld [tilespmem:s31+$0xB200];
	v1 =	vadd.f32 v12, v11;
	v0 =	vadd.f32 v13, v11  }
0x38: {  	v19 =	vld [tilespmem:s31+$0xB210];
	v10 =	vadd.f32 v14, v11;
	v9 =	vadd.f32 v15, v11;
	v12 =	vimm.f32 $0.0e+00  }
0x39: {  	s29 =	simm.s32 $0xC0;
	s30 =	simm.s32 $0x500;
	v20 =	vld [tilespmem:s31+$0xB220];
	v15 =	vimm.f32 $0.0e+00;
	v13 =	vimm.f32 $0.0e+00;
	v14 =	vimm.f32 $0.0e+00  }
.LBB2_3:
0x3a: {  	p0 =	sne.s32 s30, $0xC700;
	v21 =	vld [tilespmem:s29+$0xB230];
	v11 =	vadd.f32 v16, v11  }
0x3b: {  	v16 =	vld [tilespmem:s29+$0x7FC0];
	v12 =	vadd.f32 v17, v12  }
0x3c: {  	v17 =	vld [tilespmem:s29+$0x7FD0];
	v15 =	vadd.f32 v18, v15  }
0x3d: {  	v18 =	vld [tilespmem:s29+$0x7FE0];
	v13 =	vadd.f32 v19, v13  }
0x3e: {  	v19 =	vld [tilespmem:s29+$0x7FF0];
	v14 =	vadd.f32 v20, v14  }
0x3f: {  	v20 =	vld [tilespmem:s29+$0x8000];
	v4 =	vadd.f32 v21, v4  }
0x40: {  	v8 =	vadd.f32 v16, v8;
	v16 =	vld [tilespmem:s29+$0x8010]  }
0x41: {  	v5 =	vadd.f32 v17, v5;
	v17 =	vld [tilespmem:s29+$0x8020]  }
0x42: {  	v6 =	vadd.f32 v18, v6;
	v18 =	vld [tilespmem:s29+$0x8030]  }
0x43: {  	v2 =	vadd.f32 v19, v2;
	v19 =	vld [tilespmem:s29+$0xB1C0]  }
0x44: {  	v7 =	vadd.f32 v20, v7;
	v20 =	vld [tilespmem:s29+$0xB1D0]  }
.Ltmp0:
0x45: {  	v3 =	vadd.f32 v16, v3;
	v16 =	vld [tilespmem:s29+$0xB1E0];
	(pc) =	sbr.rel @p0 .LBB2_3-.Ltmp0, $4  }
0x46: {  	v1 =	vadd.f32 v17, v1;
	v17 =	vld [tilespmem:s29+$0xB1F0]  }
0x47: {  	v0 =	vadd.f32 v18, v0;
	v18 =	vld [tilespmem:s29+$0xB200]  }
0x48: {  	v10 =	vadd.f32 v19, v10;
	v19 =	vld [tilespmem:s29+$0xB210]  }
0x49: {  	v9 =	vadd.f32 v20, v9;
	v20 =	vld [tilespmem:s29+$0xB220];
	s29 =	sshra.s32 s30, $0x2;
	s30 =	sadd.s32 $0x200, s30  }
0x4a: {  	v21 =	vld [tilespmem:s29+$0xB230]  }
0x4b: {  	v22 =	vld [tilespmem:s29+$0x7FC0]  }
0x4c: {  	v23 =	vld [tilespmem:s29+$0x7FD0]  }
0x4d: {  	v24 =	vld [tilespmem:s29+$0x7FE0]  }
0x4e: {  	v25 =	vld [tilespmem:s29+$0x7FF0]  }
0x4f: {  	v26 =	vld [tilespmem:s29+$0x8000]  }
0x50: {  	v27 =	vld [tilespmem:s29+$0x8010]  }
0x51: {  	v11 =	vadd.f32 v16, v11;
	v16 =	vld [tilespmem:s29+$0x8020]  }
0x52: {  	v12 =	vadd.f32 v17, v12;
	v17 =	vld [tilespmem:s29+$0xB1C0];
	v15 =	vadd.f32 v18, v15  }
0x53: {  	v18 =	vld [tilespmem:s29+$0xB1D0];
	v13 =	vadd.f32 v19, v13;
	v14 =	vadd.f32 v20, v14  }
0x54: {  	v19 =	vld [tilespmem:s29+$0xB1E0];
	v4 =	vadd.f32 v21, v4;
	v8 =	vadd.f32 v22, v8  }
0x55: {  	v20 =	vld [tilespmem:s29+$0xB1F0];
	v5 =	vadd.f32 v23, v5;
	v6 =	vadd.f32 v24, v6  }
0x56: {  	v2 =	vadd.f32 v25, v2;
	v7 =	vadd.f32 v26, v7;
	v21 =	vld [tilespmem:s29+$0xB200]  }
0x57: {  	v3 =	vadd.f32 v27, v3;
	v10 =	vadd.f32 v17, v10;
	v17 =	vld [tilespmem:s29+$0xB210]  }
0x58: {  	v1 =	vadd.f32 v16, v1;
	v16 =	vld [tilespmem:s29+$0xB220];
	v9 =	vadd.f32 v18, v9  }
0x59: {  	v18 =	vld [tilespmem:s29+$0x8030];
	v11 =	vadd.f32 v19, v11;
	v8 =	vadd.f32 v10, v8  }
0x5a: {  	s1 =	smul.u32 $0x600, s26;
	v10 =	vadd.f32 v20, v12;
	v5 =	vadd.f32 v9, v5  }
0x5b: {  	v9 =	vadd.f32 v21, v15;
	v8 =	vmul.f32 $4.999999890e-03, v8;
	v6 =	vadd.f32 v11, v6  }
0x5c: {  	s29 =	sshra.s32 s1, $0x2;
	v11 =	vadd.f32 v17, v13;
	v5 =	vmul.f32 $4.999999890e-03, v5;
	v2 =	vadd.f32 v10, v2  }
0x5d: {  	v10 =	vadd.f32 v16, v14;
	[tilespmem:s29+$0x1AC00] =	vst v8;
	v6 =	vmul.f32 $4.999999890e-03, v6;
	v7 =	vadd.f32 v9, v7  }
0x5e: {  	v0 =	vadd.f32 v18, v0;
	[tilespmem:s29+$0x1AC10] =	vst v5;
	v2 =	vmul.f32 $4.999999890e-03, v2;
	v3 =	vadd.f32 v11, v3  }
0x5f: {  	v1 =	vadd.f32 v10, v1;
	[tilespmem:s29+$0x1AC20] =	vst v6;
	v5 =	vmul.f32 $4.999999890e-03, v7  }
0x60: {  	v0 =	vadd.f32 v4, v0;
	[tilespmem:s29+$0x1AC30] =	vst v2;
	v2 =	vmul.f32 $4.999999890e-03, v3  }
0x61: {  	s0 =	smul.u32 $0xC00, s26;
	v1 =	vmul.f32 $4.999999890e-03, v1;
	[tilespmem:s29+$0x1AC40] =	vst v5  }
0x62: {  	v0 =	vmul.f32 $4.999999890e-03, v0;
	[tilespmem:s29+$0x1AC50] =	vst v2  }
0x63: {  	s30 =	sshra.s32 s0, $0x2;
	[tilespmem:s29+$0x1AC60] =	vst v1  }
0x64: {  	s1 =	sadd.s32 $0x300, s30;
	[tilespmem:s29+$0x1AC70] =	vst v0  }
0x65: {  	[tilespmem:s11], [sflag:$0x1] =	stream.indirect.gather [hbm4b:s2+s10], $0x80, s1, s10, $0xb8;
	[tilespmem:$0x1EC00] =	vst v63  }
0x66: {  	s0 =	sadd.s32 $0x380, s30  }
0x67: {  	[tilespmem:s13], [sflag:$0x1] =	stream.indirect.gather [hbm4b:s2+s10], $0x80, s0, s10, $0xb8;
	[tilespmem:$0x1EC00] =	vst v63  }
0x68: {  	_ =	swait.ge [sflag:s22], $0x6400  }
0x69: {  	[sflag:s22] =	ssyncset.done $0x0  }
0x6a: {  	s0 =	simm.s32 $0x0;
	[sflag:s22] =	ssyncadd.s32 $0xFFFF9C00  }
0x6b: {  	v0 =	vld [tilespmem:s0+$0x11670]  }
0x6c: {  	v1 =	vld [tilespmem:s0+$0xE400]  }
0x6d: {  	v2 =	vld [tilespmem:s0+$0xE410]  }
0x6e: {  	v3 =	vld [tilespmem:s0+$0xE420]  }
0x6f: {  	v7 =	vld [tilespmem:s0+$0xE430]  }
0x70: {  	v9 =	vld [tilespmem:s0+$0xE440]  }
0x71: {  	v10 =	vld [tilespmem:s0+$0xE450]  }
0x72: {  	v12 =	vld [tilespmem:s0+$0xE460]  }
0x73: {  	v13 =	vld [tilespmem:s0+$0xE470]  }
0x74: {  	v11 =	vimm.f32 $0.0e+00;
	v14 =	vld [tilespmem:s0+$0x11600]  }
0x75: {  	v15 =	vld [tilespmem:s0+$0x11610];
	v4 =	vadd.f32 v0, v11  }
0x76: {  	v8 =	vadd.f32 v1, v11;
	v5 =	vadd.f32 v2, v11  }
0x77: {  	v16 =	vld [tilespmem:s0+$0x11620];
	v6 =	vadd.f32 v3, v11;
	v2 =	vadd.f32 v7, v11  }
0x78: {  	v17 =	vld [tilespmem:s0+$0x11630];
	v7 =	vadd.f32 v9, v11;
	v3 =	vadd.f32 v10, v11  }
0x79: {  	v18 =	vld [tilespmem:s0+$0x11640];
	v1 =	vadd.f32 v12, v11;
	v0 =	vadd.f32 v13, v11  }
0x7a: {  	v19 =	vld [tilespmem:s0+$0x11650];
	v10 =	vadd.f32 v14, v11;
	v9 =	vadd.f32 v15, v11;
	v12 =	vimm.f32 $0.0e+00  }
0x7b: {  	s31 =	simm.s32 $0x80;
	s1 =	simm.s32 $0x400;
	v20 =	vld [tilespmem:s0+$0x11660];
	v15 =	vimm.f32 $0.0e+00;
	v13 =	vimm.f32 $0.0e+00;
	v14 =	vimm.f32 $0.0e+00  }
.LBB2_5:
0x7c: {  	p0 =	sne.s32 s1, $0xC600;
	v21 =	vld [tilespmem:s31+$0x11670];
	v11 =	vadd.f32 v16, v11  }
0x7d: {  	v16 =	vld [tilespmem:s31+$0xE400];
	v12 =	vadd.f32 v17, v12  }
0x7e: {  	v17 =	vld [tilespmem:s31+$0xE410];
	v15 =	vadd.f32 v18, v15  }
0x7f: {  	v18 =	vld [tilespmem:s31+$0xE420];
	v13 =	vadd.f32 v19, v13  }
0x80: {  	v19 =	vld [tilespmem:s31+$0xE430];
	v14 =	vadd.f32 v20, v14  }
0x81: {  	v20 =	vld [tilespmem:s31+$0xE440];
	v4 =	vadd.f32 v21, v4  }
0x82: {  	v8 =	vadd.f32 v16, v8;
	v16 =	vld [tilespmem:s31+$0xE450]  }
0x83: {  	v5 =	vadd.f32 v17, v5;
	v17 =	vld [tilespmem:s31+$0xE460]  }
0x84: {  	v6 =	vadd.f32 v18, v6;
	v18 =	vld [tilespmem:s31+$0xE470]  }
0x85: {  	v2 =	vadd.f32 v19, v2;
	v19 =	vld [tilespmem:s31+$0x11600]  }
0x86: {  	v7 =	vadd.f32 v20, v7;
	v20 =	vld [tilespmem:s31+$0x11610]  }
.Ltmp1:
0x87: {  	v3 =	vadd.f32 v16, v3;
	v16 =	vld [tilespmem:s31+$0x11620];
	(pc) =	sbr.rel @p0 .LBB2_5-.Ltmp1, $4  }
0x88: {  	v1 =	vadd.f32 v17, v1;
	v17 =	vld [tilespmem:s31+$0x11630]  }
0x89: {  	v0 =	vadd.f32 v18, v0;
	v18 =	vld [tilespmem:s31+$0x11640]  }
0x8a: {  	v10 =	vadd.f32 v19, v10;
	v19 =	vld [tilespmem:s31+$0x11650]  }
0x8b: {  	v9 =	vadd.f32 v20, v9;
	v20 =	vld [tilespmem:s31+$0x11660];
	s31 =	sshra.s32 s1, $0x2;
	s1 =	sadd.s32 $0x200, s1  }
0x8c: {  	v21 =	vld [tilespmem:s31+$0x11670]  }
0x8d: {  	v22 =	vld [tilespmem:s31+$0xE400]  }
0x8e: {  	v23 =	vld [tilespmem:s31+$0xE410]  }
0x8f: {  	v24 =	vld [tilespmem:s31+$0xE420]  }
0x90: {  	v25 =	vld [tilespmem:s31+$0xE430]  }
0x91: {  	v26 =	vld [tilespmem:s31+$0xE440]  }
0x92: {  	v27 =	vld [tilespmem:s31+$0xE450]  }
0x93: {  	v11 =	vadd.f32 v16, v11;
	v16 =	vld [tilespmem:s31+$0xE460]  }
0x94: {  	v12 =	vadd.f32 v17, v12;
	v17 =	vld [tilespmem:s31+$0x11600];
	v15 =	vadd.f32 v18, v15  }
0x95: {  	v18 =	vld [tilespmem:s31+$0x11610];
	v13 =	vadd.f32 v19, v13;
	v14 =	vadd.f32 v20, v14  }
0x96: {  	v19 =	vld [tilespmem:s31+$0x11620];
	v4 =	vadd.f32 v21, v4;
	v8 =	vadd.f32 v22, v8  }
0x97: {  	v20 =	vld [tilespmem:s31+$0x11630];
	v5 =	vadd.f32 v23, v5;
	v6 =	vadd.f32 v24, v6  }
0x98: {  	v2 =	vadd.f32 v25, v2;
	v7 =	vadd.f32 v26, v7;
	v21 =	vld [tilespmem:s31+$0x11640]  }
0x99: {  	v3 =	vadd.f32 v27, v3;
	v10 =	vadd.f32 v17, v10;
	v17 =	vld [tilespmem:s31+$0x11650]  }
0x9a: {  	v1 =	vadd.f32 v16, v1;
	v16 =	vld [tilespmem:s31+$0x11660];
	v9 =	vadd.f32 v18, v9  }
0x9b: {  	v18 =	vld [tilespmem:s31+$0xE470];
	v11 =	vadd.f32 v19, v11;
	v8 =	vadd.f32 v10, v8  }
0x9c: {  	v10 =	vadd.f32 v20, v12;
	v5 =	vadd.f32 v9, v5  }
0x9d: {  	v9 =	vadd.f32 v21, v15;
	v8 =	vmul.f32 $4.999999890e-03, v8;
	v6 =	vadd.f32 v11, v6  }
0x9e: {  	v11 =	vadd.f32 v17, v13;
	v5 =	vmul.f32 $4.999999890e-03, v5;
	v2 =	vadd.f32 v10, v2  }
0x9f: {  	v10 =	vadd.f32 v16, v14;
	[tilespmem:s29+$0x1AC80] =	vst v8;
	v6 =	vmul.f32 $4.999999890e-03, v6;
	v7 =	vadd.f32 v9, v7  }
0xa0: {  	v0 =	vadd.f32 v18, v0;
	[tilespmem:s29+$0x1AC90] =	vst v5;
	v2 =	vmul.f32 $4.999999890e-03, v2;
	v3 =	vadd.f32 v11, v3  }
0xa1: {  	v1 =	vadd.f32 v10, v1;
	[tilespmem:s29+$0x1ACA0] =	vst v6;
	v5 =	vmul.f32 $4.999999890e-03, v7  }
0xa2: {  	v0 =	vadd.f32 v4, v0;
	[tilespmem:s29+$0x1ACB0] =	vst v2;
	v2 =	vmul.f32 $4.999999890e-03, v3  }
0xa3: {  	v1 =	vmul.f32 $4.999999890e-03, v1;
	[tilespmem:s29+$0x1ACC0] =	vst v5  }
0xa4: {  	v0 =	vmul.f32 $4.999999890e-03, v0;
	[tilespmem:s29+$0x1ACD0] =	vst v2  }
0xa5: {  	[tilespmem:s29+$0x1ACE0] =	vst v1  }
0xa6: {  	s0 =	sadd.s32 $0x400, s30;
	[tilespmem:s29+$0x1ACF0] =	vst v0  }
0xa7: {  	[tilespmem:s15], [sflag:$0x2] =	stream.indirect.gather [hbm4b:s2+s10], $0x80, s0, s10, $0xb8;
	[tilespmem:$0x1EC00] =	vst v63  }
0xa8: {  	s30 =	sadd.s32 $0x480, s30  }
0xa9: {  	[tilespmem:s17], [sflag:$0x2] =	stream.indirect.gather [hbm4b:s2+s10], $0x80, s30, s10, $0xb8;
	[tilespmem:$0x1EC00] =	vst v63  }
0xaa: {  	_ =	swait.ge [sflag:s23], $0x6400  }
0xab: {  	[sflag:s23] =	ssyncset.done $0x0  }
0xac: {  	s31 =	simm.s32 $0x0;
	[sflag:s23] =	ssyncadd.s32 $0xFFFF9C00  }
0xad: {  	v0 =	vld [tilespmem:s31+$0x17A70]  }
0xae: {  	v1 =	vld [tilespmem:s31+$0x14800]  }
0xaf: {  	v2 =	vld [tilespmem:s31+$0x14810]  }
0xb0: {  	v3 =	vld [tilespmem:s31+$0x14820]  }
0xb1: {  	v7 =	vld [tilespmem:s31+$0x14830]  }
0xb2: {  	v9 =	vld [tilespmem:s31+$0x14840]  }
0xb3: {  	v10 =	vld [tilespmem:s31+$0x14850]  }
0xb4: {  	v12 =	vld [tilespmem:s31+$0x14860]  }
0xb5: {  	v13 =	vld [tilespmem:s31+$0x14870]  }
0xb6: {  	v11 =	vimm.f32 $0.0e+00;
	v14 =	vld [tilespmem:s31+$0x17A00]  }
0xb7: {  	v15 =	vld [tilespmem:s31+$0x17A10];
	v4 =	vadd.f32 v0, v11  }
0xb8: {  	v8 =	vadd.f32 v1, v11;
	v5 =	vadd.f32 v2, v11  }
0xb9: {  	v16 =	vld [tilespmem:s31+$0x17A20];
	v6 =	vadd.f32 v3, v11;
	v2 =	vadd.f32 v7, v11  }
0xba: {  	v17 =	vld [tilespmem:s31+$0x17A30];
	v7 =	vadd.f32 v9, v11;
	v3 =	vadd.f32 v10, v11  }
0xbb: {  	v18 =	vld [tilespmem:s31+$0x17A40];
	v1 =	vadd.f32 v12, v11;
	v0 =	vadd.f32 v13, v11  }
0xbc: {  	v19 =	vld [tilespmem:s31+$0x17A50];
	v10 =	vadd.f32 v14, v11;
	v9 =	vadd.f32 v15, v11;
	v12 =	vimm.f32 $0.0e+00  }
0xbd: {  	s1 =	simm.s32 $0x400;
	s29 =	simm.s32 $0x80;
	v20 =	vld [tilespmem:s31+$0x17A60];
	v15 =	vimm.f32 $0.0e+00;
	v13 =	vimm.f32 $0.0e+00;
	v14 =	vimm.f32 $0.0e+00  }
.LBB2_7:
0xbe: {  	p0 =	sne.s32 s1, $0xC600;
	v21 =	vld [tilespmem:s29+$0x17A70];
	v11 =	vadd.f32 v16, v11  }
0xbf: {  	v16 =	vld [tilespmem:s29+$0x14800];
	v12 =	vadd.f32 v17, v12  }
0xc0: {  	v17 =	vld [tilespmem:s29+$0x14810];
	v15 =	vadd.f32 v18, v15  }
0xc1: {  	v18 =	vld [tilespmem:s29+$0x14820];
	v13 =	vadd.f32 v19, v13  }
0xc2: {  	v19 =	vld [tilespmem:s29+$0x14830];
	v14 =	vadd.f32 v20, v14  }
0xc3: {  	v20 =	vld [tilespmem:s29+$0x14840];
	v4 =	vadd.f32 v21, v4  }
0xc4: {  	v8 =	vadd.f32 v16, v8;
	v16 =	vld [tilespmem:s29+$0x14850]  }
0xc5: {  	v5 =	vadd.f32 v17, v5;
	v17 =	vld [tilespmem:s29+$0x14860]  }
0xc6: {  	v6 =	vadd.f32 v18, v6;
	v18 =	vld [tilespmem:s29+$0x14870]  }
0xc7: {  	v2 =	vadd.f32 v19, v2;
	v19 =	vld [tilespmem:s29+$0x17A00]  }
0xc8: {  	v7 =	vadd.f32 v20, v7;
	v20 =	vld [tilespmem:s29+$0x17A10]  }
.Ltmp2:
0xc9: {  	v3 =	vadd.f32 v16, v3;
	v16 =	vld [tilespmem:s29+$0x17A20];
	(pc) =	sbr.rel @p0 .LBB2_7-.Ltmp2, $4  }
0xca: {  	v1 =	vadd.f32 v17, v1;
	v17 =	vld [tilespmem:s29+$0x17A30]  }
0xcb: {  	v0 =	vadd.f32 v18, v0;
	v18 =	vld [tilespmem:s29+$0x17A40]  }
0xcc: {  	v10 =	vadd.f32 v19, v10;
	v19 =	vld [tilespmem:s29+$0x17A50]  }
0xcd: {  	v9 =	vadd.f32 v20, v9;
	v20 =	vld [tilespmem:s29+$0x17A60];
	s29 =	sshra.s32 s1, $0x2;
	s1 =	sadd.s32 $0x200, s1  }
0xce: {  	v21 =	vld [tilespmem:s29+$0x17A70]  }
0xcf: {  	v22 =	vld [tilespmem:s29+$0x14800]  }
0xd0: {  	v23 =	vld [tilespmem:s29+$0x14810]  }
0xd1: {  	v24 =	vld [tilespmem:s29+$0x14820]  }
0xd2: {  	v25 =	vld [tilespmem:s29+$0x14830]  }
0xd3: {  	v26 =	vld [tilespmem:s29+$0x14840]  }
0xd4: {  	v27 =	vld [tilespmem:s29+$0x14850]  }
0xd5: {  	v11 =	vadd.f32 v16, v11;
	v49 =	vld [tilespmem:s29+$0x14860]  }
0xd6: {  	v50 =	vld [tilespmem:s29+$0x17A00];
	v12 =	vadd.f32 v17, v12;
	v15 =	vadd.f32 v18, v15  }
0xd7: {  	v51 =	vld [tilespmem:s29+$0x17A10];
	v13 =	vadd.f32 v19, v13;
	v14 =	vadd.f32 v20, v14  }
0xd8: {  	v52 =	vld [tilespmem:s29+$0x17A20];
	v4 =	vadd.f32 v21, v4;
	v8 =	vadd.f32 v22, v8  }
0xd9: {  	v53 =	vld [tilespmem:s29+$0x17A30];
	v5 =	vadd.f32 v23, v5;
	v6 =	vadd.f32 v24, v6  }
0xda: {  	v54 =	vld [tilespmem:s29+$0x17A40];
	v2 =	vadd.f32 v25, v2;
	v7 =	vadd.f32 v26, v7  }
0xdb: {  	v55 =	vld [tilespmem:s29+$0x17A50];
	v3 =	vadd.f32 v27, v3;
	v10 =	vadd.f32 v50, v10  }
0xdc: {  	v57 =	vld [tilespmem:s29+$0x14870];
	v1 =	vadd.f32 v49, v1;
	v9 =	vadd.f32 v51, v9  }
0xdd: {  	v56 =	vld [tilespmem:s29+$0x17A60];
	v11 =	vadd.f32 v52, v11;
	v8 =	vadd.f32 v10, v8  }
0xde: {  	v58 =	vadd.f32 v53, v12;
	v5 =	vadd.f32 v9, v5  }
0xdf: {  	s0 =	sshll.u32 s28, $0x7;
	v59 =	vadd.f32 v54, v15;
	v6 =	vadd.f32 v11, v6;
	v8 =	vmul.f32 $4.999999890e-03, v8  }
0xe0: {  	s0 =	sand.u32 $0x3FFFFF80, s0;
	v60 =	vadd.f32 v55, v13;
	v2 =	vadd.f32 v58, v2;
	v5 =	vmul.f32 $4.999999890e-03, v5  }
0xe1: {  	v0 =	vadd.f32 v57, v0;
	v7 =	vadd.f32 v59, v7;
	v6 =	vmul.f32 $4.999999890e-03, v6;
	[tilespmem:s0+$0x1AC00] =	vst v8  }
0xe2: {  	s26 =	sadd.s32 $0x1, s26;
	v61 =	vadd.f32 v56, v14;
	v3 =	vadd.f32 v60, v3;
	v2 =	vmul.f32 $4.999999890e-03, v2;
	[tilespmem:s0+$0x1AC10] =	vst v5  }
0xe3: {  	p0 =	sne.s32 s26, $0x2A;
	v0 =	vadd.f32 v4, v0;
	v62 =	vmul.f32 $4.999999890e-03, v7;
	[tilespmem:s0+$0x1AC20] =	vst v6  }
.Ltmp3:
0xe4: {  	v1 =	vadd.f32 v61, v1;
	v63 =	vmul.f32 $4.999999890e-03, v3;
	[tilespmem:s0+$0x1AC30] =	vst v2;
	(pc) =	sbr.rel @p0 .LBB2_2-.Ltmp3, $4  }
0xe5: {  	v0 =	vmul.f32 $4.999999890e-03, v0;
	[tilespmem:s0+$0x1AC40] =	vst v62  }
0xe6: {  	v1 =	vmul.f32 $4.999999890e-03, v1;
	[tilespmem:s0+$0x1AC50] =	vst v63  }
0xe7: {  	[tilespmem:s0+$0x1AC70] =	vst v0  }
0xe8: {  	[tilespmem:s0+$0x1AC60] =	vst v1  }
0xe9: {  	_ =	swait.ge [sflag:s21], $0x6400  }
0xea: {  	[sflag:s21] =	ssyncset.done $0x0  }
0xeb: {  	s0 =	simm.s32 $0x40;
	[sflag:s21] =	ssyncadd.s32 $0xFFFF9C00  }
0xec: {  	v0 =	vld [tilespmem:s0+$0xB230]  }
0xed: {  	v1 =	vld [tilespmem:s0+$0x7FC0]  }
0xee: {  	v2 =	vld [tilespmem:s0+$0x7FD0]  }
0xef: {  	v3 =	vld [tilespmem:s0+$0x7FE0]  }
0xf0: {  	v7 =	vld [tilespmem:s0+$0x7FF0]  }
0xf1: {  	v9 =	vld [tilespmem:s0+$0x8000]  }
0xf2: {  	v10 =	vld [tilespmem:s0+$0x8010]  }
0xf3: {  	v12 =	vld [tilespmem:s0+$0x8020]  }
0xf4: {  	v13 =	vld [tilespmem:s0+$0x8030]  }
0xf5: {  	v11 =	vimm.f32 $0.0e+00;
	v14 =	vld [tilespmem:s0+$0xB1C0]  }
0xf6: {  	v15 =	vld [tilespmem:s0+$0xB1D0];
	v4 =	vadd.f32 v0, v11  }
0xf7: {  	v8 =	vadd.f32 v1, v11;
	v5 =	vadd.f32 v2, v11  }
0xf8: {  	v16 =	vld [tilespmem:s0+$0xB1E0];
	v6 =	vadd.f32 v3, v11;
	v2 =	vadd.f32 v7, v11  }
0xf9: {  	v17 =	vld [tilespmem:s0+$0xB1F0];
	v7 =	vadd.f32 v9, v11;
	v3 =	vadd.f32 v10, v11  }
0xfa: {  	v18 =	vld [tilespmem:s0+$0xB200];
	v1 =	vadd.f32 v12, v11;
	v0 =	vadd.f32 v13, v11  }
0xfb: {  	v19 =	vld [tilespmem:s0+$0xB210];
	v10 =	vadd.f32 v14, v11;
	v9 =	vadd.f32 v15, v11;
	v12 =	vimm.f32 $0.0e+00  }
0xfc: {  	s26 =	simm.s32 $0xC0;
	s1 =	simm.s32 $0x500;
	v20 =	vld [tilespmem:s0+$0xB220];
	v15 =	vimm.f32 $0.0e+00;
	v13 =	vimm.f32 $0.0e+00;
	v14 =	vimm.f32 $0.0e+00  }
.LBB2_10:
0xfd: {  	p0 =	sne.s32 s1, $0xC700;
	v21 =	vld [tilespmem:s26+$0xB230];
	v11 =	vadd.f32 v16, v11  }
0xfe: {  	v16 =	vld [tilespmem:s26+$0x7FC0];
	v12 =	vadd.f32 v17, v12  }
0xff: {  	v17 =	vld [tilespmem:s26+$0x7FD0];
	v15 =	vadd.f32 v18, v15  }
0x100: {  	v18 =	vld [tilespmem:s26+$0x7FE0];
	v13 =	vadd.f32 v19, v13  }
0x101: {  	v19 =	vld [tilespmem:s26+$0x7FF0];
	v14 =	vadd.f32 v20, v14  }
0x102: {  	v20 =	vld [tilespmem:s26+$0x8000];
	v4 =	vadd.f32 v21, v4  }
0x103: {  	v8 =	vadd.f32 v16, v8;
	v16 =	vld [tilespmem:s26+$0x8010]  }
0x104: {  	v5 =	vadd.f32 v17, v5;
	v17 =	vld [tilespmem:s26+$0x8020]  }
0x105: {  	v6 =	vadd.f32 v18, v6;
	v18 =	vld [tilespmem:s26+$0x8030]  }
0x106: {  	v2 =	vadd.f32 v19, v2;
	v19 =	vld [tilespmem:s26+$0xB1C0]  }
0x107: {  	v7 =	vadd.f32 v20, v7;
	v20 =	vld [tilespmem:s26+$0xB1D0]  }
.Ltmp4:
0x108: {  	v3 =	vadd.f32 v16, v3;
	v16 =	vld [tilespmem:s26+$0xB1E0];
	(pc) =	sbr.rel @p0 .LBB2_10-.Ltmp4, $4  }
0x109: {  	v1 =	vadd.f32 v17, v1;
	v17 =	vld [tilespmem:s26+$0xB1F0]  }
0x10a: {  	v0 =	vadd.f32 v18, v0;
	v18 =	vld [tilespmem:s26+$0xB200]  }
0x10b: {  	v10 =	vadd.f32 v19, v10;
	v19 =	vld [tilespmem:s26+$0xB210]  }
0x10c: {  	v9 =	vadd.f32 v20, v9;
	v20 =	vld [tilespmem:s26+$0xB220];
	s26 =	sshra.s32 s1, $0x2;
	s1 =	sadd.s32 $0x200, s1  }
0x10d: {  	v21 =	vld [tilespmem:s26+$0xB230]  }
0x10e: {  	v22 =	vld [tilespmem:s26+$0x7FC0]  }
0x10f: {  	v23 =	vld [tilespmem:s26+$0x7FD0]  }
0x110: {  	v24 =	vld [tilespmem:s26+$0x7FE0]  }
0x111: {  	v25 =	vld [tilespmem:s26+$0x7FF0]  }
0x112: {  	v26 =	vld [tilespmem:s26+$0x8000]  }
0x113: {  	v27 =	vld [tilespmem:s26+$0x8010]  }
0x114: {  	v11 =	vadd.f32 v16, v11;
	v16 =	vld [tilespmem:s26+$0x8020]  }
0x115: {  	v12 =	vadd.f32 v17, v12;
	v17 =	vld [tilespmem:s26+$0xB1C0];
	v15 =	vadd.f32 v18, v15  }
0x116: {  	v18 =	vld [tilespmem:s26+$0xB1D0];
	v13 =	vadd.f32 v19, v13;
	v14 =	vadd.f32 v20, v14  }
0x117: {  	v19 =	vld [tilespmem:s26+$0xB1E0];
	v4 =	vadd.f32 v21, v4;
	v8 =	vadd.f32 v22, v8  }
0x118: {  	v20 =	vld [tilespmem:s26+$0xB1F0];
	v5 =	vadd.f32 v23, v5;
	v6 =	vadd.f32 v24, v6  }
0x119: {  	v2 =	vadd.f32 v25, v2;
	v7 =	vadd.f32 v26, v7;
	v21 =	vld [tilespmem:s26+$0xB200]  }
0x11a: {  	v3 =	vadd.f32 v27, v3;
	v10 =	vadd.f32 v17, v10;
	v17 =	vld [tilespmem:s26+$0xB210]  }
0x11b: {  	v1 =	vadd.f32 v16, v1;
	v16 =	vld [tilespmem:s26+$0xB220];
	v9 =	vadd.f32 v18, v9  }
0x11c: {  	v18 =	vld [tilespmem:s26+$0x8030];
	v11 =	vadd.f32 v19, v11;
	v8 =	vadd.f32 v10, v8  }
0x11d: {  	v10 =	vadd.f32 v20, v12;
	v5 =	vadd.f32 v9, v5  }
0x11e: {  	v9 =	vadd.f32 v21, v15;
	v8 =	vmul.f32 $4.999999890e-03, v8;
	v6 =	vadd.f32 v11, v6  }
0x11f: {  	v11 =	vadd.f32 v17, v13;
	v5 =	vmul.f32 $4.999999890e-03, v5;
	v2 =	vadd.f32 v10, v2  }
0x120: {  	v10 =	vadd.f32 v16, v14;
	[tilespmem:$0x1EB00] =	vst v8;
	v6 =	vmul.f32 $4.999999890e-03, v6;
	v7 =	vadd.f32 v9, v7  }
0x121: {  	v0 =	vadd.f32 v18, v0;
	[tilespmem:$0x1EB10] =	vst v5;
	v2 =	vmul.f32 $4.999999890e-03, v2;
	v3 =	vadd.f32 v11, v3  }
0x122: {  	v1 =	vadd.f32 v10, v1;
	[tilespmem:$0x1EB20] =	vst v6;
	v5 =	vmul.f32 $4.999999890e-03, v7  }
0x123: {  	v0 =	vadd.f32 v4, v0;
	[tilespmem:$0x1EB30] =	vst v2;
	v2 =	vmul.f32 $4.999999890e-03, v3  }
0x124: {  	v1 =	vmul.f32 $4.999999890e-03, v1;
	[tilespmem:$0x1EB40] =	vst v5  }
0x125: {  	v0 =	vmul.f32 $4.999999890e-03, v0;
	[tilespmem:$0x1EB50] =	vst v2  }
0x126: {  	[tilespmem:$0x1EB60] =	vst v1  }
0x127: {  	[tilespmem:$0x1EB70] =	vst v0  }
0x128: {  	_ =	swait.ge [sflag:s22], $0x6400  }
0x129: {  	[sflag:s22] =	ssyncset.done $0x0  }
0x12a: {  	s0 =	simm.s32 $0x0;
	[sflag:s22] =	ssyncadd.s32 $0xFFFF9C00  }
0x12b: {  	v0 =	vld [tilespmem:s0+$0x11670]  }
0x12c: {  	v1 =	vld [tilespmem:s0+$0xE400]  }
0x12d: {  	v2 =	vld [tilespmem:s0+$0xE410]  }
0x12e: {  	v3 =	vld [tilespmem:s0+$0xE420]  }
0x12f: {  	v7 =	vld [tilespmem:s0+$0xE430]  }
0x130: {  	v9 =	vld [tilespmem:s0+$0xE440]  }
0x131: {  	v10 =	vld [tilespmem:s0+$0xE450]  }
0x132: {  	v12 =	vld [tilespmem:s0+$0xE460]  }
0x133: {  	v13 =	vld [tilespmem:s0+$0xE470]  }
0x134: {  	v11 =	vimm.f32 $0.0e+00;
	v14 =	vld [tilespmem:s0+$0x11600]  }
0x135: {  	v15 =	vld [tilespmem:s0+$0x11610];
	v4 =	vadd.f32 v0, v11  }
0x136: {  	v8 =	vadd.f32 v1, v11;
	v5 =	vadd.f32 v2, v11  }
0x137: {  	v16 =	vld [tilespmem:s0+$0x11620];
	v6 =	vadd.f32 v3, v11;
	v2 =	vadd.f32 v7, v11  }
0x138: {  	v17 =	vld [tilespmem:s0+$0x11630];
	v7 =	vadd.f32 v9, v11;
	v3 =	vadd.f32 v10, v11  }
0x139: {  	v18 =	vld [tilespmem:s0+$0x11640];
	v1 =	vadd.f32 v12, v11;
	v0 =	vadd.f32 v13, v11  }
0x13a: {  	v19 =	vld [tilespmem:s0+$0x11650];
	v10 =	vadd.f32 v14, v11;
	v9 =	vadd.f32 v15, v11;
	v12 =	vimm.f32 $0.0e+00  }
0x13b: {  	s1 =	simm.s32 $0x400;
	s26 =	simm.s32 $0x80;
	v20 =	vld [tilespmem:s0+$0x11660];
	v15 =	vimm.f32 $0.0e+00;
	v13 =	vimm.f32 $0.0e+00;
	v14 =	vimm.f32 $0.0e+00  }
.LBB2_12:
0x13c: {  	p0 =	sne.s32 s1, $0xC600;
	v21 =	vld [tilespmem:s26+$0x11670];
	v11 =	vadd.f32 v16, v11  }
0x13d: {  	v16 =	vld [tilespmem:s26+$0xE400];
	v12 =	vadd.f32 v17, v12  }
0x13e: {  	v17 =	vld [tilespmem:s26+$0xE410];
	v15 =	vadd.f32 v18, v15  }
0x13f: {  	v18 =	vld [tilespmem:s26+$0xE420];
	v13 =	vadd.f32 v19, v13  }
0x140: {  	v19 =	vld [tilespmem:s26+$0xE430];
	v14 =	vadd.f32 v20, v14  }
0x141: {  	v20 =	vld [tilespmem:s26+$0xE440];
	v4 =	vadd.f32 v21, v4  }
0x142: {  	v8 =	vadd.f32 v16, v8;
	v16 =	vld [tilespmem:s26+$0xE450]  }
0x143: {  	v5 =	vadd.f32 v17, v5;
	v17 =	vld [tilespmem:s26+$0xE460]  }
0x144: {  	v6 =	vadd.f32 v18, v6;
	v18 =	vld [tilespmem:s26+$0xE470]  }
0x145: {  	v2 =	vadd.f32 v19, v2;
	v19 =	vld [tilespmem:s26+$0x11600]  }
0x146: {  	v7 =	vadd.f32 v20, v7;
	v20 =	vld [tilespmem:s26+$0x11610]  }
.Ltmp5:
0x147: {  	v3 =	vadd.f32 v16, v3;
	v16 =	vld [tilespmem:s26+$0x11620];
	(pc) =	sbr.rel @p0 .LBB2_12-.Ltmp5, $4  }
0x148: {  	v1 =	vadd.f32 v17, v1;
	v17 =	vld [tilespmem:s26+$0x11630]  }
0x149: {  	v0 =	vadd.f32 v18, v0;
	v18 =	vld [tilespmem:s26+$0x11640]  }
0x14a: {  	v10 =	vadd.f32 v19, v10;
	v19 =	vld [tilespmem:s26+$0x11650]  }
0x14b: {  	v9 =	vadd.f32 v20, v9;
	v20 =	vld [tilespmem:s26+$0x11660];
	s26 =	sshra.s32 s1, $0x2;
	s1 =	sadd.s32 $0x200, s1  }
0x14c: {  	v21 =	vld [tilespmem:s26+$0x11670]  }
0x14d: {  	v22 =	vld [tilespmem:s26+$0xE400]  }
0x14e: {  	v23 =	vld [tilespmem:s26+$0xE410]  }
0x14f: {  	v24 =	vld [tilespmem:s26+$0xE420]  }
0x150: {  	v25 =	vld [tilespmem:s26+$0xE430]  }
0x151: {  	v26 =	vld [tilespmem:s26+$0xE440]  }
0x152: {  	v27 =	vld [tilespmem:s26+$0xE450]  }
0x153: {  	v11 =	vadd.f32 v16, v11;
	v49 =	vld [tilespmem:s26+$0xE460]  }
0x154: {  	v50 =	vld [tilespmem:s26+$0x11600];
	v12 =	vadd.f32 v17, v12;
	v15 =	vadd.f32 v18, v15  }
0x155: {  	v51 =	vld [tilespmem:s26+$0x11610];
	v13 =	vadd.f32 v19, v13;
	v14 =	vadd.f32 v20, v14  }
0x156: {  	v52 =	vld [tilespmem:s26+$0x11620];
	v4 =	vadd.f32 v21, v4;
	v8 =	vadd.f32 v22, v8  }
0x157: {  	v53 =	vld [tilespmem:s26+$0x11630];
	v5 =	vadd.f32 v23, v5;
	v6 =	vadd.f32 v24, v6  }
0x158: {  	v54 =	vld [tilespmem:s26+$0x11640];
	v2 =	vadd.f32 v25, v2;
	v7 =	vadd.f32 v26, v7  }
0x159: {  	v55 =	vld [tilespmem:s26+$0x11650];
	v3 =	vadd.f32 v27, v3;
	v10 =	vadd.f32 v50, v10  }
0x15a: {  	v57 =	vld [tilespmem:s26+$0xE470];
	v1 =	vadd.f32 v49, v1;
	v9 =	vadd.f32 v51, v9  }
0x15b: {  	v56 =	vld [tilespmem:s26+$0x11660];
	v11 =	vadd.f32 v52, v11;
	v8 =	vadd.f32 v10, v8  }
0x15c: {  	v58 =	vadd.f32 v53, v12;
	v5 =	vadd.f32 v9, v5  }
0x15d: {  	v59 =	vadd.f32 v54, v15;
	v6 =	vadd.f32 v11, v6;
	v8 =	vmul.f32 $4.999999890e-03, v8  }
0x15e: {  	v60 =	vadd.f32 v55, v13;
	v2 =	vadd.f32 v58, v2;
	v5 =	vmul.f32 $4.999999890e-03, v5  }
0x15f: {  	v0 =	vadd.f32 v57, v0;
	v7 =	vadd.f32 v59, v7;
	v6 =	vmul.f32 $4.999999890e-03, v6;
	[tilespmem:$0x1EB80] =	vst v8  }
0x160: {  	v61 =	vadd.f32 v56, v14;
	v3 =	vadd.f32 v60, v3;
	v2 =	vmul.f32 $4.999999890e-03, v2;
	[tilespmem:$0x1EB90] =	vst v5  }
0x161: {  	v0 =	vadd.f32 v4, v0;
	v62 =	vmul.f32 $4.999999890e-03, v7;
	[tilespmem:$0x1EBA0] =	vst v6  }
0x162: {  	v1 =	vadd.f32 v61, v1;
	v63 =	vmul.f32 $4.999999890e-03, v3;
	[tilespmem:$0x1EBB0] =	vst v2  }
0x163: {  	v0 =	vmul.f32 $4.999999890e-03, v0;
	[tilespmem:$0x1EBC0] =	vst v62  }
0x164: {  	s25 =	sadd.s32 $0x1, s25;
	v1 =	vmul.f32 $4.999999890e-03, v1;
	[tilespmem:$0x1EBD0] =	vst v63  }
0x165: {  	p0 =	sne.s32 s25, s7;
	[tilespmem:$0x1EBF0] =	vst v0  }
.Ltmp6:
0x166: {  	[tilespmem:$0x1EBE0] =	vst v1;
	(pc) =	sbr.rel @p0 .LBB2_1-.Ltmp6, $4  }
0x167: {  	[hbm4b:s6+s3] =	stream.linear.scatter [tilespmem:s24], [sflag:$0x5], $0x4000, $0x38;
	[tilespmem:$0x1EC00] =	vst v63  }
0x168: {  	_ =	swait.ge [sflag:s8], $0x4000  }
0x169: {  	[sflag:s8] =	ssyncset.done $0x0  }
0x16a: {  	[sflag:s8] =	ssyncadd.s32 $0xFFFFC000  }
0x16b: {  	_ =	sfence.sel $0x180000  }
0x16c: {  	[bflag:$0x0] =	sbarrier.arrive $0xFFFF  }
0x16d: {  	_ =	strace $0x90000047  }
0x16e: {  	s0 =	stileid.u32;
	[bflag:$0x2] =	sbarrier.arrive $0xFFFF  }
0x16f: {  	p0 =	sne.s32 s0, $0x0;
	s0 =	rddreg [dreg:$0x3]  }
0x170: {  	s0 =	sadd.s32 @!p0 $0x100000, s0  }
0x171: {  	[sflag:s0] =	ssyncadd.tile.s32 @!p0 $0x1;
	_ =	shalt  }
.Lfunc_end2:
_tile_overlayer_lowered:
.L_overlay_start_2:
0x172: {  	(tag) =	ssettag $0x2  }
0x173: {  	s0 =	rddreg [dreg:$0x0];
	s2 =	stileid.u32  }
0x174: {  	s1 =	rddreg [dreg:$0x1];
	p0 =	sne.s32 s2, $0x0  }
0x175: {  	s3 =	rddreg [dreg:$0x2];
	[bflag:$0x3] =	sbarrier.arrive $0xFFFF;
	s2 =	simm.s32 @!p0 $0x1C05  }
0x176: {  	[timem:s3], [sflag:s2] =	dma.local @!p0 [hbm:s0], s1  }
0x177: {  	s0 =	simm.s32 @!p0 $0x5  }
0x178: {  	_ =	swait.ge @!p0 [sflag:s0], s1  }
0x179: {  	s1 =	ssub.s32 @!p0 $0x0, s1;
	[sflag:s0] =	ssyncset.done @!p0 $0x0  }
0x17a: {  	[sflag:s0] =	ssyncadd.s32 @!p0 s1  }
0x17b: {  	[bflag:$0x3] =	sbarrier.arrive $0xFFFF  }
0x17c: {  	_ =	shalt  }

</sc_bundles>
